<compile_context>
chip_gen: v7x
topology: tpu7x:2x2x1
jax: 0.10.2.dev20260603
libtpu: 0.0.44.dev20260713+nightly
codegen_flags: <defaults>
</compile_context>

<pallas_src>
import functools

import jax
import jax.numpy as jnp
from jax import lax
from jax.experimental import pallas as pl
from jax.experimental.pallas import tpu as pltpu
from jax.experimental.pallas import tpu_sc as plsc

B = 16384
D = 64
HID = 16

_info = plsc.get_sparse_core_info()
NC, NS = _info.num_cores, _info.num_subcores
NW = NC * NS
B_PER_W = B // NW

_mesh = plsc.VectorSubcoreMesh(core_axis_name="c", subcore_axis_name="s")

G = 16
NG = B_PER_W // G


@functools.partial(
    pl.kernel,
    mesh=_mesh,
    out_type=jax.ShapeDtypeStruct((B, D), jnp.float32),
    scratch_types=[
        pltpu.VMEM((B_PER_W,), jnp.int32),
        pltpu.VMEM((B_PER_W, D), jnp.float32),
        pltpu.SemaphoreType.DMA,
    ],
)
def _sc_gather(idx_hbm, table_hbm, emb_hbm, idx_v, rows_v, sem):
    wid = lax.axis_index("s") * NC + lax.axis_index("c")
    jbase = wid * B_PER_W
    pltpu.sync_copy(idx_hbm.at[wid], idx_v)

    def body(g, _):
        vec = idx_v[pl.ds(g * G, G)]
        base = g * G
        for l in range(G):
            s = vec[l]
            pltpu.async_copy(
                table_hbm.at[pl.ds(s, 1)], rows_v.at[pl.ds(base + l, 1)], sem
            )

        @pl.when(g >= 1)
        def _wait():
            for l in range(G):
                pltpu.make_async_copy(
                    table_hbm.at[pl.ds(0, 1)],
                    rows_v.at[pl.ds(base - G + l, 1)],
                    sem,
                ).wait()

        return 0

    lax.fori_loop(0, NG, body, 0)
    for l in range(G):
        pltpu.make_async_copy(
            table_hbm.at[pl.ds(0, 1)],
            rows_v.at[pl.ds((NG - 1) * G + l, 1)],
            sem,
        ).wait()
    pltpu.sync_copy(rows_v, emb_hbm.at[pl.ds(jbase, B_PER_W)])


def _mlp_body(emb_ref, w1_ref, b1_ref, w2_ref, b2_ref, out_ref):
    h = jnp.dot(emb_ref[...], w1_ref[...], preferred_element_type=jnp.float32)
    h = jnp.maximum(h + b1_ref[...], 0.0)
    out_ref[...] = (
        jnp.dot(h, w2_ref[...], preferred_element_type=jnp.float32) + b2_ref[...]
    )


_BBLK = 2048


def _tc_mlp(emb, w1, b1, w2, b2):
    grid = (B // _BBLK,)
    return pl.pallas_call(
        _mlp_body,
        grid=grid,
        in_specs=[
            pl.BlockSpec((_BBLK, D), lambda i: (i, 0)),
            pl.BlockSpec((D, HID), lambda i: (0, 0)),
            pl.BlockSpec((1, HID), lambda i: (0, 0)),
            pl.BlockSpec((HID, 1), lambda i: (0, 0)),
            pl.BlockSpec((1, 1), lambda i: (0, 0)),
        ],
        out_specs=pl.BlockSpec((_BBLK, 1), lambda i: (i, 0)),
        out_shape=jax.ShapeDtypeStruct((B, 1), jnp.float32),
    )(emb, w1, b1, w2, b2)


def kernel(states, emb_table, W1, b1, W2, b2):
    idx = states.reshape(NW, B_PER_W)
    emb = _sc_gather(idx, emb_table)
    values = _tc_mlp(emb, W1, b1.reshape(1, HID), W2, b2.reshape(1, 1))
    return emb, values

# --- scband reference (transcript-rebuilt; emitter-appended) ---
"""Pipeline reference for scband-ac-value-net-17042430230643 (READ-ONLY COPY).

The authoritative reference and input builder live on the scoring server;
editing this copy changes nothing except your own understanding.
"""

import jax, jax.numpy as jnp
import numpy as np

STATE_NUM = 1000000
DIM = 64
HIDDEN = 16
B = 16384


def setup_inputs(seed: int = 0) -> dict:
    key = jax.random.key(seed)
    k1, k2, k3, k4, k5, k6 = jax.random.split(key, 6)
    states = jax.random.randint(k1, (B, 1), 0, STATE_NUM, dtype=jnp.int32)
    emb_table = jax.random.normal(k2, (STATE_NUM, DIM), dtype=jnp.float32)
    W1 = jax.random.normal(k3, (DIM, HIDDEN), dtype=jnp.float32) / np.sqrt(DIM)
    b1 = jax.random.normal(k4, (HIDDEN,), dtype=jnp.float32) * 0.01
    W2 = jax.random.normal(k5, (HIDDEN, 1), dtype=jnp.float32) / np.sqrt(HIDDEN)
    b2 = jax.random.normal(k6, (1,), dtype=jnp.float32) * 0.01
    return {"states": states, "emb_table": emb_table, "W1": W1, "b1": b1, "W2": W2, "b2": b2}


def reference(states, emb_table, W1, b1, W2, b2):
    # nn.Embedding lookup: [B, 1, DIM] then squeeze(1) -> [B, DIM]
    emb = jnp.take(emb_table, states[:, 0], axis=0)
    # linear1 + relu
    x = jnp.maximum(emb @ W1 + b1, 0.0)
    # linear2 -> state values
    states_value = x @ W2 + b2
    return (emb, states_value)

if __name__ == "__main__":
    import jax
    _d = setup_inputs()
    print(jax.jit(kernel)(*tuple(_d.values())))

</pallas_src>

<mosaic_0001>
#map = affine_map<(d0, d1) -> (0, 0)>
module attributes {stable_mosaic.version = 14 : i64} {
  func.func @_sc_gather(%arg0: i32, %arg1: i32, %arg2: memref<32x512xi32, #tpu.memory_space<hbm>>, %arg3: memref<1000000x64xf32, #tpu.memory_space<hbm>>, %arg4: memref<16384x64xf32, #tpu.memory_space<hbm>>, %arg5: memref<512xi32, #tpu.memory_space<vmem>>, %arg6: memref<512x64xf32, #tpu.memory_space<vmem>>, %arg7: memref<!tpu.dma_semaphore, #tpu.memory_space<semaphore_mem>>) attributes {dimension_semantics = [#tpu.dimension_semantics<core_parallel>, #tpu.dimension_semantics<subcore_parallel>], iteration_bounds = array<i64: 2, 16>, scalar_prefetch = 0 : i64, scratch_operands = 3 : i64, tpu.core_type = #tpu.core_type<sc_vector_subcore>, window_params = [{transform_indices = #map}, {transform_indices = #map}, {transform_indices = #map}]} {
    %mul3A = arith.constant 2 : i32
    %mul3A_0 = arith.muli %arg1, %mul3A : i32
    %add3A = arith.addi %mul3A_0, %arg0 : i32
    %mul3A_1 = arith.constant 512 : i32
    %mul3A_2 = arith.muli %add3A, %mul3A_1 : i32
    "tpu.region"() ({
      %run_scoped3A = tpu.sem_alloc : memref<!tpu.dma_semaphore, #tpu.memory_space<semaphore_mem>>
      %dma_start3A = arith.constant 0 : i32
      %dma_start3A_200 = tpu.memref_slice %arg2[%add3A, %dma_start3A] : memref<32x512xi32, #tpu.memory_space<hbm>> -> memref<1x512xi32, #tpu.memory_space<hbm>>
      %dma_start3A_201 = tpu.memref_squeeze %dma_start3A_200 : memref<1x512xi32, #tpu.memory_space<hbm>> -> memref<512xi32, #tpu.memory_space<hbm>>
      %dma_start3A_202 = arith.constant 0 : i32
      %dma_start3A_203 = tpu.memref_slice %arg2[%add3A, %dma_start3A_202] : memref<32x512xi32, #tpu.memory_space<hbm>> -> memref<1x512xi32, #tpu.memory_space<hbm>>
      %dma_start3A_204 = tpu.memref_squeeze %dma_start3A_203 : memref<1x512xi32, #tpu.memory_space<hbm>> -> memref<512xi32, #tpu.memory_space<hbm>>
      tpu.enqueue_dma source(%dma_start3A_204 : memref<512xi32, #tpu.memory_space<hbm>>) target(%arg5 : memref<512xi32, #tpu.memory_space<vmem>>) target_semaphore(%run_scoped3A : memref<!tpu.dma_semaphore, #tpu.memory_space<semaphore_mem>>)
      %dma_wait3A_205 = arith.constant 0 : i32
      %dma_wait3A_206 = tpu.memref_slice %arg2[%add3A, %dma_wait3A_205] : memref<32x512xi32, #tpu.memory_space<hbm>> -> memref<1x512xi32, #tpu.memory_space<hbm>>
      %dma_wait3A_207 = tpu.memref_squeeze %dma_wait3A_206 : memref<1x512xi32, #tpu.memory_space<hbm>> -> memref<512xi32, #tpu.memory_space<hbm>>
      %dma_wait3A_208 = arith.constant 0 : i32
      %dma_wait3A_209 = tpu.memref_slice %arg2[%add3A, %dma_wait3A_208] : memref<32x512xi32, #tpu.memory_space<hbm>> -> memref<1x512xi32, #tpu.memory_space<hbm>>
      %dma_wait3A_210 = tpu.memref_squeeze %dma_wait3A_209 : memref<1x512xi32, #tpu.memory_space<hbm>> -> memref<512xi32, #tpu.memory_space<hbm>>
      tpu.wait_dma2 semaphore(%run_scoped3A : memref<!tpu.dma_semaphore, #tpu.memory_space<semaphore_mem>>) src(%dma_wait3A_210 : memref<512xi32, #tpu.memory_space<hbm>>) dst(%arg5 : memref<512xi32, #tpu.memory_space<vmem>>)
      tpu.yield
    }) : () -> ()
    %scan3A = arith.constant 0 : i32
    %scan3A_3 = arith.constant 0 : i32
    %scan3A_4 = arith.constant 32 : i32
    %scan3A_5 = arith.addi %scan3A_3, %scan3A_4 : i32
    %scan3A_6 = arith.constant 1 : i32
    %scan3A_7 = scf.for %scan3A_200 = %scan3A_3 to %scan3A_5 step %scan3A_6 iter_args(%scan3A_201 = %scan3A) -> (i32)  : i32 {
      %mul3A_202 = arith.constant 16 : i32
      %mul3A_203 = arith.muli %scan3A_200, %mul3A_202 : i32
      %get3A = arith.index_cast %mul3A_203 : i32 to index
      %get3A_204 = tpu.vector_load %arg5[%get3A] {strides = array<i32>} : memref<512xi32, #tpu.memory_space<vmem>>, vector<16xi32>,
      %get3A_205 = vector.shape_cast %get3A_204 : vector<16xi32> to vector<16xi32>
      %mul3A_206 = arith.constant 16 : i32
      %mul3A_207 = arith.muli %scan3A_200, %mul3A_206 : i32
      %slice3A = vector.extract_strided_slice %get3A_205 {offsets = [0], sizes = [1], strides = [1]} : vector<16xi32> to vector<1xi32>
      %squeeze3A = vector.extract %slice3A[0] : i32 from vector<1xi32>
      %add3A_208 = arith.constant 0 : i32
      %add3A_209 = arith.addi %mul3A_207, %add3A_208 : i32
      %dma_start3A = arith.constant 0 : i32
      %dma_start3A_210 = tpu.memref_slice %arg6[%add3A_209, %dma_start3A] : memref<512x64xf32, #tpu.memory_space<vmem>> -> memref<1x64xf32, #tpu.memory_space<vmem>>
      %dma_start3A_211 = arith.constant 0 : i32
      %dma_start3A_212 = tpu.memref_slice %arg3[%squeeze3A, %dma_start3A_211] : memref<1000000x64xf32, #tpu.memory_space<hbm>> -> memref<1x64xf32, #tpu.memory_space<hbm>>
      %dma_start3A_213 = arith.constant 0 : i32
      %dma_start3A_214 = tpu.memref_slice %arg6[%add3A_209, %dma_start3A_213] : memref<512x64xf32, #tpu.memory_space<vmem>> -> memref<1x64xf32, #tpu.memory_space<vmem>>
      %dma_start3A_215 = arith.constant 0 : i32
      %dma_start3A_216 = tpu.memref_slice %arg3[%squeeze3A, %dma_start3A_215] : memref<1000000x64xf32, #tpu.memory_space<hbm>> -> memref<1x64xf32, #tpu.memory_space<hbm>>
      tpu.enqueue_dma source(%dma_start3A_216 : memref<1x64xf32, #tpu.memory_space<hbm>>) target(%dma_start3A_214 : memref<1x64xf32, #tpu.memory_space<vmem>>) target_semaphore(%arg7 : memref<!tpu.dma_semaphore, #tpu.memory_space<semaphore_mem>>)
      %slice3A_217 = vector.extract_strided_slice %get3A_205 {offsets = [1], sizes = [1], strides = [1]} : vector<16xi32> to vector<1xi32>
      %squeeze3A_218 = vector.extract %slice3A_217[0] : i32 from vector<1xi32>
      %add3A_219 = arith.constant 1 : i32
      %add3A_220 = arith.addi %mul3A_207, %add3A_219 : i32
      %dma_start3A_221 = arith.constant 0 : i32
      %dma_start3A_222 = tpu.memref_slice %arg6[%add3A_220, %dma_start3A_221] : memref<512x64xf32, #tpu.memory_space<vmem>> -> memref<1x64xf32, #tpu.memory_space<vmem>>
      %dma_start3A_223 = arith.constant 0 : i32
      %dma_start3A_224 = tpu.memref_slice %arg3[%squeeze3A_218, %dma_start3A_223] : memref<1000000x64xf32, #tpu.memory_space<hbm>> -> memref<1x64xf32, #tpu.memory_space<hbm>>
      %dma_start3A_225 = arith.constant 0 : i32
      %dma_start3A_226 = tpu.memref_slice %arg6[%add3A_220, %dma_start3A_225] : memref<512x64xf32, #tpu.memory_space<vmem>> -> memref<1x64xf32, #tpu.memory_space<vmem>>
      %dma_start3A_227 = arith.constant 0 : i32
      %dma_start3A_228 = tpu.memref_slice %arg3[%squeeze3A_218, %dma_start3A_227] : memref<1000000x64xf32, #tpu.memory_space<hbm>> -> memref<1x64xf32, #tpu.memory_space<hbm>>
      tpu.enqueue_dma source(%dma_start3A_228 : memref<1x64xf32, #tpu.memory_space<hbm>>) target(%dma_start3A_226 : memref<1x64xf32, #tpu.memory_space<vmem>>) target_semaphore(%arg7 : memref<!tpu.dma_semaphore, #tpu.memory_space<semaphore_mem>>)
      %slice3A_229 = vector.extract_strided_slice %get3A_205 {offsets = [2], sizes = [1], strides = [1]} : vector<16xi32> to vector<1xi32>
      %squeeze3A_230 = vector.extract %slice3A_229[0] : i32 from vector<1xi32>
      %add3A_231 = arith.constant 2 : i32
      %add3A_232 = arith.addi %mul3A_207, %add3A_231 : i32
      %dma_start3A_233 = arith.constant 0 : i32
      %dma_start3A_234 = tpu.memref_slice %arg6[%add3A_232, %dma_start3A_233] : memref<512x64xf32, #tpu.memory_space<vmem>> -> memref<1x64xf32, #tpu.memory_space<vmem>>
      %dma_start3A_235 = arith.constant 0 : i32
      %dma_start3A_236 = tpu.memref_slice %arg3[%squeeze3A_230, %dma_start3A_235] : memref<1000000x64xf32, #tpu.memory_space<hbm>> -> memref<1x64xf32, #tpu.memory_space<hbm>>
      %dma_start3A_237 = arith.constant 0 : i32
      %dma_start3A_238 = tpu.memref_slice %arg6[%add3A_232, %dma_start3A_237] : memref<512x64xf32, #tpu.memory_space<vmem>> -> memref<1x64xf32, #tpu.memory_space<vmem>>
      %dma_start3A_239 = arith.constant 0 : i32
      %dma_start3A_240 = tpu.memref_slice %arg3[%squeeze3A_230, %dma_start3A_239] : memref<1000000x64xf32, #tpu.memory_space<hbm>> -> memref<1x64xf32, #tpu.memory_space<hbm>>
      tpu.enqueue_dma source(%dma_start3A_240 : memref<1x64xf32, #tpu.memory_space<hbm>>) target(%dma_start3A_238 : memref<1x64xf32, #tpu.memory_space<vmem>>) target_semaphore(%arg7 : memref<!tpu.dma_semaphore, #tpu.memory_space<semaphore_mem>>)
      %slice3A_241 = vector.extract_strided_slice %get3A_205 {offsets = [3], sizes = [1], strides = [1]} : vector<16xi32> to vector<1xi32>
      %squeeze3A_242 = vector.extract %slice3A_241[0] : i32 from vector<1xi32>
      %add3A_243 = arith.constant 3 : i32
      %add3A_244 = arith.addi %mul3A_207, %add3A_243 : i32
      %dma_start3A_245 = arith.constant 0 : i32
      %dma_start3A_246 = tpu.memref_slice %arg6[%add3A_244, %dma_start3A_245] : memref<512x64xf32, #tpu.memory_space<vmem>> -> memref<1x64xf32, #tpu.memory_space<vmem>>
      %dma_start3A_247 = arith.constant 0 : i32
      %dma_start3A_248 = tpu.memref_slice %arg3[%squeeze3A_242, %dma_start3A_247] : memref<1000000x64xf32, #tpu.memory_space<hbm>> -> memref<1x64xf32, #tpu.memory_space<hbm>>
      %dma_start3A_249 = arith.constant 0 : i32
      %dma_start3A_250 = tpu.memref_slice %arg6[%add3A_244, %dma_start3A_249] : memref<512x64xf32, #tpu.memory_space<vmem>> -> memref<1x64xf32, #tpu.memory_space<vmem>>
      %dma_start3A_251 = arith.constant 0 : i32
      %dma_start3A_252 = tpu.memref_slice %arg3[%squeeze3A_242, %dma_start3A_251] : memref<1000000x64xf32, #tpu.memory_space<hbm>> -> memref<1x64xf32, #tpu.memory_space<hbm>>
      tpu.enqueue_dma source(%dma_start3A_252 : memref<1x64xf32, #tpu.memory_space<hbm>>) target(%dma_start3A_250 : memref<1x64xf32, #tpu.memory_space<vmem>>) target_semaphore(%arg7 : memref<!tpu.dma_semaphore, #tpu.memory_space<semaphore_mem>>)
      %slice3A_253 = vector.extract_strided_slice %get3A_205 {offsets = [4], sizes = [1], strides = [1]} : vector<16xi32> to vector<1xi32>
      %squeeze3A_254 = vector.extract %slice3A_253[0] : i32 from vector<1xi32>
      %add3A_255 = arith.constant 4 : i32
      %add3A_256 = arith.addi %mul3A_207, %add3A_255 : i32
      %dma_start3A_257 = arith.constant 0 : i32
      %dma_start3A_258 = tpu.memref_slice %arg6[%add3A_256, %dma_start3A_257] : memref<512x64xf32, #tpu.memory_space<vmem>> -> memref<1x64xf32, #tpu.memory_space<vmem>>
      %dma_start3A_259 = arith.constant 0 : i32
      %dma_start3A_260 = tpu.memref_slice %arg3[%squeeze3A_254, %dma_start3A_259] : memref<1000000x64xf32, #tpu.memory_space<hbm>> -> memref<1x64xf32, #tpu.memory_space<hbm>>
      %dma_start3A_261 = arith.constant 0 : i32
      %dma_start3A_262 = tpu.memref_slice %arg6[%add3A_256, %dma_start3A_261] : memref<512x64xf32, #tpu.memory_space<vmem>> -> memref<1x64xf32, #tpu.memory_space<vmem>>
      %dma_start3A_263 = arith.constant 0 : i32
      %dma_start3A_264 = tpu.memref_slice %arg3[%squeeze3A_254, %dma_start3A_263] : memref<1000000x64xf32, #tpu.memory_space<hbm>> -> memref<1x64xf32, #tpu.memory_space<hbm>>
      tpu.enqueue_dma source(%dma_start3A_264 : memref<1x64xf32, #tpu.memory_space<hbm>>) target(%dma_start3A_262 : memref<1x64xf32, #tpu.memory_space<vmem>>) target_semaphore(%arg7 : memref<!tpu.dma_semaphore, #tpu.memory_space<semaphore_mem>>)
      %slice3A_265 = vector.extract_strided_slice %get3A_205 {offsets = [5], sizes = [1], strides = [1]} : vector<16xi32> to vector<1xi32>
      %squeeze3A_266 = vector.extract %slice3A_265[0] : i32 from vector<1xi32>
      %add3A_267 = arith.constant 5 : i32
      %add3A_268 = arith.addi %mul3A_207, %add3A_267 : i32
      %dma_start3A_269 = arith.constant 0 : i32
      %dma_start3A_270 = tpu.memref_slice %arg6[%add3A_268, %dma_start3A_269] : memref<512x64xf32, #tpu.memory_space<vmem>> -> memref<1x64xf32, #tpu.memory_space<vmem>>
      %dma_start3A_271 = arith.constant 0 : i32
      %dma_start3A_272 = tpu.memref_slice %arg3[%squeeze3A_266, %dma_start3A_271] : memref<1000000x64xf32, #tpu.memory_space<hbm>> -> memref<1x64xf32, #tpu.memory_space<hbm>>
      %dma_start3A_273 = arith.constant 0 : i32
      %dma_start3A_274 = tpu.memref_slice %arg6[%add3A_268, %dma_start3A_273] : memref<512x64xf32, #tpu.memory_space<vmem>> -> memref<1x64xf32, #tpu.memory_space<vmem>>
      %dma_start3A_275 = arith.constant 0 : i32
      %dma_start3A_276 = tpu.memref_slice %arg3[%squeeze3A_266, %dma_start3A_275] : memref<1000000x64xf32, #tpu.memory_space<hbm>> -> memref<1x64xf32, #tpu.memory_space<hbm>>
      tpu.enqueue_dma source(%dma_start3A_276 : memref<1x64xf32, #tpu.memory_space<hbm>>) target(%dma_start3A_274 : memref<1x64xf32, #tpu.memory_space<vmem>>) target_semaphore(%arg7 : memref<!tpu.dma_semaphore, #tpu.memory_space<semaphore_mem>>)
      %slice3A_277 = vector.extract_strided_slice %get3A_205 {offsets = [6], sizes = [1], strides = [1]} : vector<16xi32> to vector<1xi32>
      %squeeze3A_278 = vector.extract %slice3A_277[0] : i32 from vector<1xi32>
      %add3A_279 = arith.constant 6 : i32
      %add3A_280 = arith.addi %mul3A_207, %add3A_279 : i32
      %dma_start3A_281 = arith.constant 0 : i32
      %dma_start3A_282 = tpu.memref_slice %arg6[%add3A_280, %dma_start3A_281] : memref<512x64xf32, #tpu.memory_space<vmem>> -> memref<1x64xf32, #tpu.memory_space<vmem>>
      %dma_start3A_283 = arith.constant 0 : i32
      %dma_start3A_284 = tpu.memref_slice %arg3[%squeeze3A_278, %dma_start3A_283] : memref<1000000x64xf32, #tpu.memory_space<hbm>> -> memref<1x64xf32, #tpu.memory_space<hbm>>
      %dma_start3A_285 = arith.constant 0 : i32
      %dma_start3A_286 = tpu.memref_slice %arg6[%add3A_280, %dma_start3A_285] : memref<512x64xf32, #tpu.memory_space<vmem>> -> memref<1x64xf32, #tpu.memory_space<vmem>>
      %dma_start3A_287 = arith.constant 0 : i32
      %dma_start3A_288 = tpu.memref_slice %arg3[%squeeze3A_278, %dma_start3A_287] : memref<1000000x64xf32, #tpu.memory_space<hbm>> -> memref<1x64xf32, #tpu.memory_space<hbm>>
      tpu.enqueue_dma source(%dma_start3A_288 : memref<1x64xf32, #tpu.memory_space<hbm>>) target(%dma_start3A_286 : memref<1x64xf32, #tpu.memory_space<vmem>>) target_semaphore(%arg7 : memref<!tpu.dma_semaphore, #tpu.memory_space<semaphore_mem>>)
      %slice3A_289 = vector.extract_strided_slice %get3A_205 {offsets = [7], sizes = [1], strides = [1]} : vector<16xi32> to vector<1xi32>
      %squeeze3A_290 = vector.extract %slice3A_289[0] : i32 from vector<1xi32>
      %add3A_291 = arith.constant 7 : i32
      %add3A_292 = arith.addi %mul3A_207, %add3A_291 : i32
      %dma_start3A_293 = arith.constant 0 : i32
      %dma_start3A_294 = tpu.memref_slice %arg6[%add3A_292, %dma_start3A_293] : memref<512x64xf32, #tpu.memory_space<vmem>> -> memref<1x64xf32, #tpu.memory_space<vmem>>
      %dma_start3A_295 = arith.constant 0 : i32
      %dma_start3A_296 = tpu.memref_slice %arg3[%squeeze3A_290, %dma_start3A_295] : memref<1000000x64xf32, #tpu.memory_space<hbm>> -> memref<1x64xf32, #tpu.memory_space<hbm>>
      %dma_start3A_297 = arith.constant 0 : i32
      %dma_start3A_298 = tpu.memref_slice %arg6[%add3A_292, %dma_start3A_297] : memref<512x64xf32, #tpu.memory_space<vmem>> -> memref<1x64xf32, #tpu.memory_space<vmem>>
      %dma_start3A_299 = arith.constant 0 : i32
      %dma_start3A_300 = tpu.memref_slice %arg3[%squeeze3A_290, %dma_start3A_299] : memref<1000000x64xf32, #tpu.memory_space<hbm>> -> memref<1x64xf32, #tpu.memory_space<hbm>>
      tpu.enqueue_dma source(%dma_start3A_300 : memref<1x64xf32, #tpu.memory_space<hbm>>) target(%dma_start3A_298 : memref<1x64xf32, #tpu.memory_space<vmem>>) target_semaphore(%arg7 : memref<!tpu.dma_semaphore, #tpu.memory_space<semaphore_mem>>)
      %slice3A_301 = vector.extract_strided_slice %get3A_205 {offsets = [8], sizes = [1], strides = [1]} : vector<16xi32> to vector<1xi32>
      %squeeze3A_302 = vector.extract %slice3A_301[0] : i32 from vector<1xi32>
      %add3A_303 = arith.constant 8 : i32
      %add3A_304 = arith.addi %mul3A_207, %add3A_303 : i32
      %dma_start3A_305 = arith.constant 0 : i32
      %dma_start3A_306 = tpu.memref_slice %arg6[%add3A_304, %dma_start3A_305] : memref<512x64xf32, #tpu.memory_space<vmem>> -> memref<1x64xf32, #tpu.memory_space<vmem>>
      %dma_start3A_307 = arith.constant 0 : i32
      %dma_start3A_308 = tpu.memref_slice %arg3[%squeeze3A_302, %dma_start3A_307] : memref<1000000x64xf32, #tpu.memory_space<hbm>> -> memref<1x64xf32, #tpu.memory_space<hbm>>
      %dma_start3A_309 = arith.constant 0 : i32
      %dma_start3A_310 = tpu.memref_slice %arg6[%add3A_304, %dma_start3A_309] : memref<512x64xf32, #tpu.memory_space<vmem>> -> memref<1x64xf32, #tpu.memory_space<vmem>>
      %dma_start3A_311 = arith.constant 0 : i32
      %dma_start3A_312 = tpu.memref_slice %arg3[%squeeze3A_302, %dma_start3A_311] : memref<1000000x64xf32, #tpu.memory_space<hbm>> -> memref<1x64xf32, #tpu.memory_space<hbm>>
      tpu.enqueue_dma source(%dma_start3A_312 : memref<1x64xf32, #tpu.memory_space<hbm>>) target(%dma_start3A_310 : memref<1x64xf32, #tpu.memory_space<vmem>>) target_semaphore(%arg7 : memref<!tpu.dma_semaphore, #tpu.memory_space<semaphore_mem>>)
      %slice3A_313 = vector.extract_strided_slice %get3A_205 {offsets = [9], sizes = [1], strides = [1]} : vector<16xi32> to vector<1xi32>
      %squeeze3A_314 = vector.extract %slice3A_313[0] : i32 from vector<1xi32>
      %add3A_315 = arith.constant 9 : i32
      %add3A_316 = arith.addi %mul3A_207, %add3A_315 : i32
      %dma_start3A_317 = arith.constant 0 : i32
      %dma_start3A_318 = tpu.memref_slice %arg6[%add3A_316, %dma_start3A_317] : memref<512x64xf32, #tpu.memory_space<vmem>> -> memref<1x64xf32, #tpu.memory_space<vmem>>
      %dma_start3A_319 = arith.constant 0 : i32
      %dma_start3A_320 = tpu.memref_slice %arg3[%squeeze3A_314, %dma_start3A_319] : memref<1000000x64xf32, #tpu.memory_space<hbm>> -> memref<1x64xf32, #tpu.memory_space<hbm>>
      %dma_start3A_321 = arith.constant 0 : i32
      %dma_start3A_322 = tpu.memref_slice %arg6[%add3A_316, %dma_start3A_321] : memref<512x64xf32, #tpu.memory_space<vmem>> -> memref<1x64xf32, #tpu.memory_space<vmem>>
      %dma_start3A_323 = arith.constant 0 : i32
      %dma_start3A_324 = tpu.memref_slice %arg3[%squeeze3A_314, %dma_start3A_323] : memref<1000000x64xf32, #tpu.memory_space<hbm>> -> memref<1x64xf32, #tpu.memory_space<hbm>>
      tpu.enqueue_dma source(%dma_start3A_324 : memref<1x64xf32, #tpu.memory_space<hbm>>) target(%dma_start3A_322 : memref<1x64xf32, #tpu.memory_space<vmem>>) target_semaphore(%arg7 : memref<!tpu.dma_semaphore, #tpu.memory_space<semaphore_mem>>)
      %slice3A_325 = vector.extract_strided_slice %get3A_205 {offsets = [10], sizes = [1], strides = [1]} : vector<16xi32> to vector<1xi32>
      %squeeze3A_326 = vector.extract %slice3A_325[0] : i32 from vector<1xi32>
      %add3A_327 = arith.constant 10 : i32
      %add3A_328 = arith.addi %mul3A_207, %add3A_327 : i32
      %dma_start3A_329 = arith.constant 0 : i32
      %dma_start3A_330 = tpu.memref_slice %arg6[%add3A_328, %dma_start3A_329] : memref<512x64xf32, #tpu.memory_space<vmem>> -> memref<1x64xf32, #tpu.memory_space<vmem>>
      %dma_start3A_331 = arith.constant 0 : i32
      %dma_start3A_332 = tpu.memref_slice %arg3[%squeeze3A_326, %dma_start3A_331] : memref<1000000x64xf32, #tpu.memory_space<hbm>> -> memref<1x64xf32, #tpu.memory_space<hbm>>
      %dma_start3A_333 = arith.constant 0 : i32
      %dma_start3A_334 = tpu.memref_slice %arg6[%add3A_328, %dma_start3A_333] : memref<512x64xf32, #tpu.memory_space<vmem>> -> memref<1x64xf32, #tpu.memory_space<vmem>>
      %dma_start3A_335 = arith.constant 0 : i32
      %dma_start3A_336 = tpu.memref_slice %arg3[%squeeze3A_326, %dma_start3A_335] : memref<1000000x64xf32, #tpu.memory_space<hbm>> -> memref<1x64xf32, #tpu.memory_space<hbm>>
      tpu.enqueue_dma source(%dma_start3A_336 : memref<1x64xf32, #tpu.memory_space<hbm>>) target(%dma_start3A_334 : memref<1x64xf32, #tpu.memory_space<vmem>>) target_semaphore(%arg7 : memref<!tpu.dma_semaphore, #tpu.memory_space<semaphore_mem>>)
      %slice3A_337 = vector.extract_strided_slice %get3A_205 {offsets = [11], sizes = [1], strides = [1]} : vector<16xi32> to vector<1xi32>
      %squeeze3A_338 = vector.extract %slice3A_337[0] : i32 from vector<1xi32>
      %add3A_339 = arith.constant 11 : i32
      %add3A_340 = arith.addi %mul3A_207, %add3A_339 : i32
      %dma_start3A_341 = arith.constant 0 : i32
      %dma_start3A_342 = tpu.memref_slice %arg6[%add3A_340, %dma_start3A_341] : memref<512x64xf32, #tpu.memory_space<vmem>> -> memref<1x64xf32, #tpu.memory_space<vmem>>
      %dma_start3A_343 = arith.constant 0 : i32
      %dma_start3A_344 = tpu.memref_slice %arg3[%squeeze3A_338, %dma_start3A_343] : memref<1000000x64xf32, #tpu.memory_space<hbm>> -> memref<1x64xf32, #tpu.memory_space<hbm>>
      %dma_start3A_345 = arith.constant 0 : i32
      %dma_start3A_346 = tpu.memref_slice %arg6[%add3A_340, %dma_start3A_345] : memref<512x64xf32, #tpu.memory_space<vmem>> -> memref<1x64xf32, #tpu.memory_space<vmem>>
      %dma_start3A_347 = arith.constant 0 : i32
      %dma_start3A_348 = tpu.memref_slice %arg3[%squeeze3A_338, %dma_start3A_347] : memref<1000000x64xf32, #tpu.memory_space<hbm>> -> memref<1x64xf32, #tpu.memory_space<hbm>>
      tpu.enqueue_dma source(%dma_start3A_348 : memref<1x64xf32, #tpu.memory_space<hbm>>) target(%dma_start3A_346 : memref<1x64xf32, #tpu.memory_space<vmem>>) target_semaphore(%arg7 : memref<!tpu.dma_semaphore, #tpu.memory_space<semaphore_mem>>)
      %slice3A_349 = vector.extract_strided_slice %get3A_205 {offsets = [12], sizes = [1], strides = [1]} : vector<16xi32> to vector<1xi32>
      %squeeze3A_350 = vector.extract %slice3A_349[0] : i32 from vector<1xi32>
      %add3A_351 = arith.constant 12 : i32
      %add3A_352 = arith.addi %mul3A_207, %add3A_351 : i32
      %dma_start3A_353 = arith.constant 0 : i32
      %dma_start3A_354 = tpu.memref_slice %arg6[%add3A_352, %dma_start3A_353] : memref<512x64xf32, #tpu.memory_space<vmem>> -> memref<1x64xf32, #tpu.memory_space<vmem>>
      %dma_start3A_355 = arith.constant 0 : i32
      %dma_start3A_356 = tpu.memref_slice %arg3[%squeeze3A_350, %dma_start3A_355] : memref<1000000x64xf32, #tpu.memory_space<hbm>> -> memref<1x64xf32, #tpu.memory_space<hbm>>
      %dma_start3A_357 = arith.constant 0 : i32
      %dma_start3A_358 = tpu.memref_slice %arg6[%add3A_352, %dma_start3A_357] : memref<512x64xf32, #tpu.memory_space<vmem>> -> memref<1x64xf32, #tpu.memory_space<vmem>>
      %dma_start3A_359 = arith.constant 0 : i32
      %dma_start3A_360 = tpu.memref_slice %arg3[%squeeze3A_350, %dma_start3A_359] : memref<1000000x64xf32, #tpu.memory_space<hbm>> -> memref<1x64xf32, #tpu.memory_space<hbm>>
      tpu.enqueue_dma source(%dma_start3A_360 : memref<1x64xf32, #tpu.memory_space<hbm>>) target(%dma_start3A_358 : memref<1x64xf32, #tpu.memory_space<vmem>>) target_semaphore(%arg7 : memref<!tpu.dma_semaphore, #tpu.memory_space<semaphore_mem>>)
      %slice3A_361 = vector.extract_strided_slice %get3A_205 {offsets = [13], sizes = [1], strides = [1]} : vector<16xi32> to vector<1xi32>
      %squeeze3A_362 = vector.extract %slice3A_361[0] : i32 from vector<1xi32>
      %add3A_363 = arith.constant 13 : i32
      %add3A_364 = arith.addi %mul3A_207, %add3A_363 : i32
      %dma_start3A_365 = arith.constant 0 : i32
      %dma_start3A_366 = tpu.memref_slice %arg6[%add3A_364, %dma_start3A_365] : memref<512x64xf32, #tpu.memory_space<vmem>> -> memref<1x64xf32, #tpu.memory_space<vmem>>
      %dma_start3A_367 = arith.constant 0 : i32
      %dma_start3A_368 = tpu.memref_slice %arg3[%squeeze3A_362, %dma_start3A_367] : memref<1000000x64xf32, #tpu.memory_space<hbm>> -> memref<1x64xf32, #tpu.memory_space<hbm>>
      %dma_start3A_369 = arith.constant 0 : i32
      %dma_start3A_370 = tpu.memref_slice %arg6[%add3A_364, %dma_start3A_369] : memref<512x64xf32, #tpu.memory_space<vmem>> -> memref<1x64xf32, #tpu.memory_space<vmem>>
      %dma_start3A_371 = arith.constant 0 : i32
      %dma_start3A_372 = tpu.memref_slice %arg3[%squeeze3A_362, %dma_start3A_371] : memref<1000000x64xf32, #tpu.memory_space<hbm>> -> memref<1x64xf32, #tpu.memory_space<hbm>>
      tpu.enqueue_dma source(%dma_start3A_372 : memref<1x64xf32, #tpu.memory_space<hbm>>) target(%dma_start3A_370 : memref<1x64xf32, #tpu.memory_space<vmem>>) target_semaphore(%arg7 : memref<!tpu.dma_semaphore, #tpu.memory_space<semaphore_mem>>)
      %slice3A_373 = vector.extract_strided_slice %get3A_205 {offsets = [14], sizes = [1], strides = [1]} : vector<16xi32> to vector<1xi32>
      %squeeze3A_374 = vector.extract %slice3A_373[0] : i32 from vector<1xi32>
      %add3A_375 = arith.constant 14 : i32
      %add3A_376 = arith.addi %mul3A_207, %add3A_375 : i32
      %dma_start3A_377 = arith.constant 0 : i32
      %dma_start3A_378 = tpu.memref_slice %arg6[%add3A_376, %dma_start3A_377] : memref<512x64xf32, #tpu.memory_space<vmem>> -> memref<1x64xf32, #tpu.memory_space<vmem>>
      %dma_start3A_379 = arith.constant 0 : i32
      %dma_start3A_380 = tpu.memref_slice %arg3[%squeeze3A_374, %dma_start3A_379] : memref<1000000x64xf32, #tpu.memory_space<hbm>> -> memref<1x64xf32, #tpu.memory_space<hbm>>
      %dma_start3A_381 = arith.constant 0 : i32
      %dma_start3A_382 = tpu.memref_slice %arg6[%add3A_376, %dma_start3A_381] : memref<512x64xf32, #tpu.memory_space<vmem>> -> memref<1x64xf32, #tpu.memory_space<vmem>>
      %dma_start3A_383 = arith.constant 0 : i32
      %dma_start3A_384 = tpu.memref_slice %arg3[%squeeze3A_374, %dma_start3A_383] : memref<1000000x64xf32, #tpu.memory_space<hbm>> -> memref<1x64xf32, #tpu.memory_space<hbm>>
      tpu.enqueue_dma source(%dma_start3A_384 : memref<1x64xf32, #tpu.memory_space<hbm>>) target(%dma_start3A_382 : memref<1x64xf32, #tpu.memory_space<vmem>>) target_semaphore(%arg7 : memref<!tpu.dma_semaphore, #tpu.memory_space<semaphore_mem>>)
      %slice3A_385 = vector.extract_strided_slice %get3A_205 {offsets = [15], sizes = [1], strides = [1]} : vector<16xi32> to vector<1xi32>
      %squeeze3A_386 = vector.extract %slice3A_385[0] : i32 from vector<1xi32>
      %add3A_387 = arith.constant 15 : i32
      %add3A_388 = arith.addi %mul3A_207, %add3A_387 : i32
      %dma_start3A_389 = arith.constant 0 : i32
      %dma_start3A_390 = tpu.memref_slice %arg6[%add3A_388, %dma_start3A_389] : memref<512x64xf32, #tpu.memory_space<vmem>> -> memref<1x64xf32, #tpu.memory_space<vmem>>
      %dma_start3A_391 = arith.constant 0 : i32
      %dma_start3A_392 = tpu.memref_slice %arg3[%squeeze3A_386, %dma_start3A_391] : memref<1000000x64xf32, #tpu.memory_space<hbm>> -> memref<1x64xf32, #tpu.memory_space<hbm>>
      %dma_start3A_393 = arith.constant 0 : i32
      %dma_start3A_394 = tpu.memref_slice %arg6[%add3A_388, %dma_start3A_393] : memref<512x64xf32, #tpu.memory_space<vmem>> -> memref<1x64xf32, #tpu.memory_space<vmem>>
      %dma_start3A_395 = arith.constant 0 : i32
      %dma_start3A_396 = tpu.memref_slice %arg3[%squeeze3A_386, %dma_start3A_395] : memref<1000000x64xf32, #tpu.memory_space<hbm>> -> memref<1x64xf32, #tpu.memory_space<hbm>>
      tpu.enqueue_dma source(%dma_start3A_396 : memref<1x64xf32, #tpu.memory_space<hbm>>) target(%dma_start3A_394 : memref<1x64xf32, #tpu.memory_space<vmem>>) target_semaphore(%arg7 : memref<!tpu.dma_semaphore, #tpu.memory_space<semaphore_mem>>)
      %ge3A = arith.constant 1 : i32
      %ge3A_397 = arith.cmpi sge, %scan3A_200, %ge3A : i32
      %convert_element_type3A = arith.extui %ge3A_397 : i1 to i32
      %cond3A = arith.constant 0 : i32
      %cond3A_398 = arith.cmpi ne, %convert_element_type3A, %cond3A : i32
      scf.if %cond3A_398 {
        %sub3A = arith.constant 16 : i32
        %sub3A_400 = arith.subi %mul3A_207, %sub3A : i32
        %add3A_401 = arith.constant 0 : i32
        %add3A_402 = arith.addi %sub3A_400, %add3A_401 : i32
        %dma_wait3A_403 = arith.constant 0 : i32
        %dma_wait3A_404 = tpu.memref_slice %arg6[%add3A_402, %dma_wait3A_403] : memref<512x64xf32, #tpu.memory_space<vmem>> -> memref<1x64xf32, #tpu.memory_space<vmem>>
        %dma_wait3A_405 = arith.constant 0 : i32
        %dma_wait3A_406 = arith.constant 0 : i32
        %dma_wait3A_407 = tpu.memref_slice %arg3[%dma_wait3A_405, %dma_wait3A_406] : memref<1000000x64xf32, #tpu.memory_space<hbm>> -> memref<1x64xf32, #tpu.memory_space<hbm>>
        %dma_wait3A_408 = arith.constant 0 : i32
        %dma_wait3A_409 = tpu.memref_slice %arg6[%add3A_402, %dma_wait3A_408] : memref<512x64xf32, #tpu.memory_space<vmem>> -> memref<1x64xf32, #tpu.memory_space<vmem>>
        %dma_wait3A_410 = arith.constant 0 : i32
        %dma_wait3A_411 = arith.constant 0 : i32
        %dma_wait3A_412 = tpu.memref_slice %arg3[%dma_wait3A_410, %dma_wait3A_411] : memref<1000000x64xf32, #tpu.memory_space<hbm>> -> memref<1x64xf32, #tpu.memory_space<hbm>>
        tpu.wait_dma2 semaphore(%arg7 : memref<!tpu.dma_semaphore, #tpu.memory_space<semaphore_mem>>) src(%dma_wait3A_412 : memref<1x64xf32, #tpu.memory_space<hbm>>) dst(%dma_wait3A_409 : memref<1x64xf32, #tpu.memory_space<vmem>>)
        %sub3A_413 = arith.constant 16 : i32
        %sub3A_414 = arith.subi %mul3A_207, %sub3A_413 : i32
        %add3A_415 = arith.constant 1 : i32
        %add3A_416 = arith.addi %sub3A_414, %add3A_415 : i32
        %dma_wait3A_417 = arith.constant 0 : i32
        %dma_wait3A_418 = tpu.memref_slice %arg6[%add3A_416, %dma_wait3A_417] : memref<512x64xf32, #tpu.memory_space<vmem>> -> memref<1x64xf32, #tpu.memory_space<vmem>>
        %dma_wait3A_419 = arith.constant 0 : i32
        %dma_wait3A_420 = arith.constant 0 : i32
        %dma_wait3A_421 = tpu.memref_slice %arg3[%dma_wait3A_419, %dma_wait3A_420] : memref<1000000x64xf32, #tpu.memory_space<hbm>> -> memref<1x64xf32, #tpu.memory_space<hbm>>
        %dma_wait3A_422 = arith.constant 0 : i32
        %dma_wait3A_423 = tpu.memref_slice %arg6[%add3A_416, %dma_wait3A_422] : memref<512x64xf32, #tpu.memory_space<vmem>> -> memref<1x64xf32, #tpu.memory_space<vmem>>
        %dma_wait3A_424 = arith.constant 0 : i32
        %dma_wait3A_425 = arith.constant 0 : i32
        %dma_wait3A_426 = tpu.memref_slice %arg3[%dma_wait3A_424, %dma_wait3A_425] : memref<1000000x64xf32, #tpu.memory_space<hbm>> -> memref<1x64xf32, #tpu.memory_space<hbm>>
        tpu.wait_dma2 semaphore(%arg7 : memref<!tpu.dma_semaphore, #tpu.memory_space<semaphore_mem>>) src(%dma_wait3A_426 : memref<1x64xf32, #tpu.memory_space<hbm>>) dst(%dma_wait3A_423 : memref<1x64xf32, #tpu.memory_space<vmem>>)
        %sub3A_427 = arith.constant 16 : i32
        %sub3A_428 = arith.subi %mul3A_207, %sub3A_427 : i32
        %add3A_429 = arith.constant 2 : i32
        %add3A_430 = arith.addi %sub3A_428, %add3A_429 : i32
        %dma_wait3A_431 = arith.constant 0 : i32
        %dma_wait3A_432 = tpu.memref_slice %arg6[%add3A_430, %dma_wait3A_431] : memref<512x64xf32, #tpu.memory_space<vmem>> -> memref<1x64xf32, #tpu.memory_space<vmem>>
        %dma_wait3A_433 = arith.constant 0 : i32
        %dma_wait3A_434 = arith.constant 0 : i32
        %dma_wait3A_435 = tpu.memref_slice %arg3[%dma_wait3A_433, %dma_wait3A_434] : memref<1000000x64xf32, #tpu.memory_space<hbm>> -> memref<1x64xf32, #tpu.memory_space<hbm>>
        %dma_wait3A_436 = arith.constant 0 : i32
        %dma_wait3A_437 = tpu.memref_slice %arg6[%add3A_430, %dma_wait3A_436] : memref<512x64xf32, #tpu.memory_space<vmem>> -> memref<1x64xf32, #tpu.memory_space<vmem>>
        %dma_wait3A_438 = arith.constant 0 : i32
        %dma_wait3A_439 = arith.constant 0 : i32
        %dma_wait3A_440 = tpu.memref_slice %arg3[%dma_wait3A_438, %dma_wait3A_439] : memref<1000000x64xf32, #tpu.memory_space<hbm>> -> memref<1x64xf32, #tpu.memory_space<hbm>>
        tpu.wait_dma2 semaphore(%arg7 : memref<!tpu.dma_semaphore, #tpu.memory_space<semaphore_mem>>) src(%dma_wait3A_440 : memref<1x64xf32, #tpu.memory_space<hbm>>) dst(%dma_wait3A_437 : memref<1x64xf32, #tpu.memory_space<vmem>>)
        %sub3A_441 = arith.constant 16 : i32
        %sub3A_442 = arith.subi %mul3A_207, %sub3A_441 : i32
        %add3A_443 = arith.constant 3 : i32
        %add3A_444 = arith.addi %sub3A_442, %add3A_443 : i32
        %dma_wait3A_445 = arith.constant 0 : i32
        %dma_wait3A_446 = tpu.memref_slice %arg6[%add3A_444, %dma_wait3A_445] : memref<512x64xf32, #tpu.memory_space<vmem>> -> memref<1x64xf32, #tpu.memory_space<vmem>>
        %dma_wait3A_447 = arith.constant 0 : i32
        %dma_wait3A_448 = arith.constant 0 : i32
        %dma_wait3A_449 = tpu.memref_slice %arg3[%dma_wait3A_447, %dma_wait3A_448] : memref<1000000x64xf32, #tpu.memory_space<hbm>> -> memref<1x64xf32, #tpu.memory_space<hbm>>
        %dma_wait3A_450 = arith.constant 0 : i32
        %dma_wait3A_451 = tpu.memref_slice %arg6[%add3A_444, %dma_wait3A_450] : memref<512x64xf32, #tpu.memory_space<vmem>> -> memref<1x64xf32, #tpu.memory_space<vmem>>
        %dma_wait3A_452 = arith.constant 0 : i32
        %dma_wait3A_453 = arith.constant 0 : i32
        %dma_wait3A_454 = tpu.memref_slice %arg3[%dma_wait3A_452, %dma_wait3A_453] : memref<1000000x64xf32, #tpu.memory_space<hbm>> -> memref<1x64xf32, #tpu.memory_space<hbm>>
        tpu.wait_dma2 semaphore(%arg7 : memref<!tpu.dma_semaphore, #tpu.memory_space<semaphore_mem>>) src(%dma_wait3A_454 : memref<1x64xf32, #tpu.memory_space<hbm>>) dst(%dma_wait3A_451 : memref<1x64xf32, #tpu.memory_space<vmem>>)
        %sub3A_455 = arith.constant 16 : i32
        %sub3A_456 = arith.subi %mul3A_207, %sub3A_455 : i32
        %add3A_457 = arith.constant 4 : i32
        %add3A_458 = arith.addi %sub3A_456, %add3A_457 : i32
        %dma_wait3A_459 = arith.constant 0 : i32
        %dma_wait3A_460 = tpu.memref_slice %arg6[%add3A_458, %dma_wait3A_459] : memref<512x64xf32, #tpu.memory_space<vmem>> -> memref<1x64xf32, #tpu.memory_space<vmem>>
        %dma_wait3A_461 = arith.constant 0 : i32
        %dma_wait3A_462 = arith.constant 0 : i32
        %dma_wait3A_463 = tpu.memref_slice %arg3[%dma_wait3A_461, %dma_wait3A_462] : memref<1000000x64xf32, #tpu.memory_space<hbm>> -> memref<1x64xf32, #tpu.memory_space<hbm>>
        %dma_wait3A_464 = arith.constant 0 : i32
        %dma_wait3A_465 = tpu.memref_slice %arg6[%add3A_458, %dma_wait3A_464] : memref<512x64xf32, #tpu.memory_space<vmem>> -> memref<1x64xf32, #tpu.memory_space<vmem>>
        %dma_wait3A_466 = arith.constant 0 : i32
        %dma_wait3A_467 = arith.constant 0 : i32
        %dma_wait3A_468 = tpu.memref_slice %arg3[%dma_wait3A_466, %dma_wait3A_467] : memref<1000000x64xf32, #tpu.memory_space<hbm>> -> memref<1x64xf32, #tpu.memory_space<hbm>>
        tpu.wait_dma2 semaphore(%arg7 : memref<!tpu.dma_semaphore, #tpu.memory_space<semaphore_mem>>) src(%dma_wait3A_468 : memref<1x64xf32, #tpu.memory_space<hbm>>) dst(%dma_wait3A_465 : memref<1x64xf32, #tpu.memory_space<vmem>>)
        %sub3A_469 = arith.constant 16 : i32
        %sub3A_470 = arith.subi %mul3A_207, %sub3A_469 : i32
        %add3A_471 = arith.constant 5 : i32
        %add3A_472 = arith.addi %sub3A_470, %add3A_471 : i32
        %dma_wait3A_473 = arith.constant 0 : i32
        %dma_wait3A_474 = tpu.memref_slice %arg6[%add3A_472, %dma_wait3A_473] : memref<512x64xf32, #tpu.memory_space<vmem>> -> memref<1x64xf32, #tpu.memory_space<vmem>>
        %dma_wait3A_475 = arith.constant 0 : i32
        %dma_wait3A_476 = arith.constant 0 : i32
        %dma_wait3A_477 = tpu.memref_slice %arg3[%dma_wait3A_475, %dma_wait3A_476] : memref<1000000x64xf32, #tpu.memory_space<hbm>> -> memref<1x64xf32, #tpu.memory_space<hbm>>
        %dma_wait3A_478 = arith.constant 0 : i32
        %dma_wait3A_479 = tpu.memref_slice %arg6[%add3A_472, %dma_wait3A_478] : memref<512x64xf32, #tpu.memory_space<vmem>> -> memref<1x64xf32, #tpu.memory_space<vmem>>
        %dma_wait3A_480 = arith.constant 0 : i32
        %dma_wait3A_481 = arith.constant 0 : i32
        %dma_wait3A_482 = tpu.memref_slice %arg3[%dma_wait3A_480, %dma_wait3A_481] : memref<1000000x64xf32, #tpu.memory_space<hbm>> -> memref<1x64xf32, #tpu.memory_space<hbm>>
        tpu.wait_dma2 semaphore(%arg7 : memref<!tpu.dma_semaphore, #tpu.memory_space<semaphore_mem>>) src(%dma_wait3A_482 : memref<1x64xf32, #tpu.memory_space<hbm>>) dst(%dma_wait3A_479 : memref<1x64xf32, #tpu.memory_space<vmem>>)
        %sub3A_483 = arith.constant 16 : i32
        %sub3A_484 = arith.subi %mul3A_207, %sub3A_483 : i32
        %add3A_485 = arith.constant 6 : i32
        %add3A_486 = arith.addi %sub3A_484, %add3A_485 : i32
        %dma_wait3A_487 = arith.constant 0 : i32
        %dma_wait3A_488 = tpu.memref_slice %arg6[%add3A_486, %dma_wait3A_487] : memref<512x64xf32, #tpu.memory_space<vmem>> -> memref<1x64xf32, #tpu.memory_space<vmem>>
        %dma_wait3A_489 = arith.constant 0 : i32
        %dma_wait3A_490 = arith.constant 0 : i32
        %dma_wait3A_491 = tpu.memref_slice %arg3[%dma_wait3A_489, %dma_wait3A_490] : memref<1000000x64xf32, #tpu.memory_space<hbm>> -> memref<1x64xf32, #tpu.memory_space<hbm>>
        %dma_wait3A_492 = arith.constant 0 : i32
        %dma_wait3A_493 = tpu.memref_slice %arg6[%add3A_486, %dma_wait3A_492] : memref<512x64xf32, #tpu.memory_space<vmem>> -> memref<1x64xf32, #tpu.memory_space<vmem>>
        %dma_wait3A_494 = arith.constant 0 : i32
        %dma_wait3A_495 = arith.constant 0 : i32
        %dma_wait3A_496 = tpu.memref_slice %arg3[%dma_wait3A_494, %dma_wait3A_495] : memref<1000000x64xf32, #tpu.memory_space<hbm>> -> memref<1x64xf32, #tpu.memory_space<hbm>>
        tpu.wait_dma2 semaphore(%arg7 : memref<!tpu.dma_semaphore, #tpu.memory_space<semaphore_mem>>) src(%dma_wait3A_496 : memref<1x64xf32, #tpu.memory_space<hbm>>) dst(%dma_wait3A_493 : memref<1x64xf32, #tpu.memory_space<vmem>>)
        %sub3A_497 = arith.constant 16 : i32
        %sub3A_498 = arith.subi %mul3A_207, %sub3A_497 : i32
        %add3A_499 = arith.constant 7 : i32
        %add3A_500 = arith.addi %sub3A_498, %add3A_499 : i32
        %dma_wait3A_501 = arith.constant 0 : i32
        %dma_wait3A_502 = tpu.memref_slice %arg6[%add3A_500, %dma_wait3A_501] : memref<512x64xf32, #tpu.memory_space<vmem>> -> memref<1x64xf32, #tpu.memory_space<vmem>>
        %dma_wait3A_503 = arith.constant 0 : i32
        %dma_wait3A_504 = arith.constant 0 : i32
        %dma_wait3A_505 = tpu.memref_slice %arg3[%dma_wait3A_503, %dma_wait3A_504] : memref<1000000x64xf32, #tpu.memory_space<hbm>> -> memref<1x64xf32, #tpu.memory_space<hbm>>
        %dma_wait3A_506 = arith.constant 0 : i32
        %dma_wait3A_507 = tpu.memref_slice %arg6[%add3A_500, %dma_wait3A_506] : memref<512x64xf32, #tpu.memory_space<vmem>> -> memref<1x64xf32, #tpu.memory_space<vmem>>
        %dma_wait3A_508 = arith.constant 0 : i32
        %dma_wait3A_509 = arith.constant 0 : i32
        %dma_wait3A_510 = tpu.memref_slice %arg3[%dma_wait3A_508, %dma_wait3A_509] : memref<1000000x64xf32, #tpu.memory_space<hbm>> -> memref<1x64xf32, #tpu.memory_space<hbm>>
        tpu.wait_dma2 semaphore(%arg7 : memref<!tpu.dma_semaphore, #tpu.memory_space<semaphore_mem>>) src(%dma_wait3A_510 : memref<1x64xf32, #tpu.memory_space<hbm>>) dst(%dma_wait3A_507 : memref<1x64xf32, #tpu.memory_space<vmem>>)
        %sub3A_511 = arith.constant 16 : i32
        %sub3A_512 = arith.subi %mul3A_207, %sub3A_511 : i32
        %add3A_513 = arith.constant 8 : i32
        %add3A_514 = arith.addi %sub3A_512, %add3A_513 : i32
        %dma_wait3A_515 = arith.constant 0 : i32
        %dma_wait3A_516 = tpu.memref_slice %arg6[%add3A_514, %dma_wait3A_515] : memref<512x64xf32, #tpu.memory_space<vmem>> -> memref<1x64xf32, #tpu.memory_space<vmem>>
        %dma_wait3A_517 = arith.constant 0 : i32
        %dma_wait3A_518 = arith.constant 0 : i32
        %dma_wait3A_519 = tpu.memref_slice %arg3[%dma_wait3A_517, %dma_wait3A_518] : memref<1000000x64xf32, #tpu.memory_space<hbm>> -> memref<1x64xf32, #tpu.memory_space<hbm>>
        %dma_wait3A_520 = arith.constant 0 : i32
        %dma_wait3A_521 = tpu.memref_slice %arg6[%add3A_514, %dma_wait3A_520] : memref<512x64xf32, #tpu.memory_space<vmem>> -> memref<1x64xf32, #tpu.memory_space<vmem>>
        %dma_wait3A_522 = arith.constant 0 : i32
        %dma_wait3A_523 = arith.constant 0 : i32
        %dma_wait3A_524 = tpu.memref_slice %arg3[%dma_wait3A_522, %dma_wait3A_523] : memref<1000000x64xf32, #tpu.memory_space<hbm>> -> memref<1x64xf32, #tpu.memory_space<hbm>>
        tpu.wait_dma2 semaphore(%arg7 : memref<!tpu.dma_semaphore, #tpu.memory_space<semaphore_mem>>) src(%dma_wait3A_524 : memref<1x64xf32, #tpu.memory_space<hbm>>) dst(%dma_wait3A_521 : memref<1x64xf32, #tpu.memory_space<vmem>>)
        %sub3A_525 = arith.constant 16 : i32
        %sub3A_526 = arith.subi %mul3A_207, %sub3A_525 : i32
        %add3A_527 = arith.constant 9 : i32
        %add3A_528 = arith.addi %sub3A_526, %add3A_527 : i32
        %dma_wait3A_529 = arith.constant 0 : i32
        %dma_wait3A_530 = tpu.memref_slice %arg6[%add3A_528, %dma_wait3A_529] : memref<512x64xf32, #tpu.memory_space<vmem>> -> memref<1x64xf32, #tpu.memory_space<vmem>>
        %dma_wait3A_531 = arith.constant 0 : i32
        %dma_wait3A_532 = arith.constant 0 : i32
        %dma_wait3A_533 = tpu.memref_slice %arg3[%dma_wait3A_531, %dma_wait3A_532] : memref<1000000x64xf32, #tpu.memory_space<hbm>> -> memref<1x64xf32, #tpu.memory_space<hbm>>
        %dma_wait3A_534 = arith.constant 0 : i32
        %dma_wait3A_535 = tpu.memref_slice %arg6[%add3A_528, %dma_wait3A_534] : memref<512x64xf32, #tpu.memory_space<vmem>> -> memref<1x64xf32, #tpu.memory_space<vmem>>
        %dma_wait3A_536 = arith.constant 0 : i32
        %dma_wait3A_537 = arith.constant 0 : i32
        %dma_wait3A_538 = tpu.memref_slice %arg3[%dma_wait3A_536, %dma_wait3A_537] : memref<1000000x64xf32, #tpu.memory_space<hbm>> -> memref<1x64xf32, #tpu.memory_space<hbm>>
        tpu.wait_dma2 semaphore(%arg7 : memref<!tpu.dma_semaphore, #tpu.memory_space<semaphore_mem>>) src(%dma_wait3A_538 : memref<1x64xf32, #tpu.memory_space<hbm>>) dst(%dma_wait3A_535 : memref<1x64xf32, #tpu.memory_space<vmem>>)
        %sub3A_539 = arith.constant 16 : i32
        %sub3A_540 = arith.subi %mul3A_207, %sub3A_539 : i32
        %add3A_541 = arith.constant 10 : i32
        %add3A_542 = arith.addi %sub3A_540, %add3A_541 : i32
        %dma_wait3A_543 = arith.constant 0 : i32
        %dma_wait3A_544 = tpu.memref_slice %arg6[%add3A_542, %dma_wait3A_543] : memref<512x64xf32, #tpu.memory_space<vmem>> -> memref<1x64xf32, #tpu.memory_space<vmem>>
        %dma_wait3A_545 = arith.constant 0 : i32
        %dma_wait3A_546 = arith.constant 0 : i32
        %dma_wait3A_547 = tpu.memref_slice %arg3[%dma_wait3A_545, %dma_wait3A_546] : memref<1000000x64xf32, #tpu.memory_space<hbm>> -> memref<1x64xf32, #tpu.memory_space<hbm>>
        %dma_wait3A_548 = arith.constant 0 : i32
        %dma_wait3A_549 = tpu.memref_slice %arg6[%add3A_542, %dma_wait3A_548] : memref<512x64xf32, #tpu.memory_space<vmem>> -> memref<1x64xf32, #tpu.memory_space<vmem>>
        %dma_wait3A_550 = arith.constant 0 : i32
        %dma_wait3A_551 = arith.constant 0 : i32
        %dma_wait3A_552 = tpu.memref_slice %arg3[%dma_wait3A_550, %dma_wait3A_551] : memref<1000000x64xf32, #tpu.memory_space<hbm>> -> memref<1x64xf32, #tpu.memory_space<hbm>>
        tpu.wait_dma2 semaphore(%arg7 : memref<!tpu.dma_semaphore, #tpu.memory_space<semaphore_mem>>) src(%dma_wait3A_552 : memref<1x64xf32, #tpu.memory_space<hbm>>) dst(%dma_wait3A_549 : memref<1x64xf32, #tpu.memory_space<vmem>>)
        %sub3A_553 = arith.constant 16 : i32
        %sub3A_554 = arith.subi %mul3A_207, %sub3A_553 : i32
        %add3A_555 = arith.constant 11 : i32
        %add3A_556 = arith.addi %sub3A_554, %add3A_555 : i32
        %dma_wait3A_557 = arith.constant 0 : i32
        %dma_wait3A_558 = tpu.memref_slice %arg6[%add3A_556, %dma_wait3A_557] : memref<512x64xf32, #tpu.memory_space<vmem>> -> memref<1x64xf32, #tpu.memory_space<vmem>>
        %dma_wait3A_559 = arith.constant 0 : i32
        %dma_wait3A_560 = arith.constant 0 : i32
        %dma_wait3A_561 = tpu.memref_slice %arg3[%dma_wait3A_559, %dma_wait3A_560] : memref<1000000x64xf32, #tpu.memory_space<hbm>> -> memref<1x64xf32, #tpu.memory_space<hbm>>
        %dma_wait3A_562 = arith.constant 0 : i32
        %dma_wait3A_563 = tpu.memref_slice %arg6[%add3A_556, %dma_wait3A_562] : memref<512x64xf32, #tpu.memory_space<vmem>> -> memref<1x64xf32, #tpu.memory_space<vmem>>
        %dma_wait3A_564 = arith.constant 0 : i32
        %dma_wait3A_565 = arith.constant 0 : i32
        %dma_wait3A_566 = tpu.memref_slice %arg3[%dma_wait3A_564, %dma_wait3A_565] : memref<1000000x64xf32, #tpu.memory_space<hbm>> -> memref<1x64xf32, #tpu.memory_space<hbm>>
        tpu.wait_dma2 semaphore(%arg7 : memref<!tpu.dma_semaphore, #tpu.memory_space<semaphore_mem>>) src(%dma_wait3A_566 : memref<1x64xf32, #tpu.memory_space<hbm>>) dst(%dma_wait3A_563 : memref<1x64xf32, #tpu.memory_space<vmem>>)
        %sub3A_567 = arith.constant 16 : i32
        %sub3A_568 = arith.subi %mul3A_207, %sub3A_567 : i32
        %add3A_569 = arith.constant 12 : i32
        %add3A_570 = arith.addi %sub3A_568, %add3A_569 : i32
        %dma_wait3A_571 = arith.constant 0 : i32
        %dma_wait3A_572 = tpu.memref_slice %arg6[%add3A_570, %dma_wait3A_571] : memref<512x64xf32, #tpu.memory_space<vmem>> -> memref<1x64xf32, #tpu.memory_space<vmem>>
        %dma_wait3A_573 = arith.constant 0 : i32
        %dma_wait3A_574 = arith.constant 0 : i32
        %dma_wait3A_575 = tpu.memref_slice %arg3[%dma_wait3A_573, %dma_wait3A_574] : memref<1000000x64xf32, #tpu.memory_space<hbm>> -> memref<1x64xf32, #tpu.memory_space<hbm>>
        %dma_wait3A_576 = arith.constant 0 : i32
        %dma_wait3A_577 = tpu.memref_slice %arg6[%add3A_570, %dma_wait3A_576] : memref<512x64xf32, #tpu.memory_space<vmem>> -> memref<1x64xf32, #tpu.memory_space<vmem>>
        %dma_wait3A_578 = arith.constant 0 : i32
        %dma_wait3A_579 = arith.constant 0 : i32
        %dma_wait3A_580 = tpu.memref_slice %arg3[%dma_wait3A_578, %dma_wait3A_579] : memref<1000000x64xf32, #tpu.memory_space<hbm>> -> memref<1x64xf32, #tpu.memory_space<hbm>>
        tpu.wait_dma2 semaphore(%arg7 : memref<!tpu.dma_semaphore, #tpu.memory_space<semaphore_mem>>) src(%dma_wait3A_580 : memref<1x64xf32, #tpu.memory_space<hbm>>) dst(%dma_wait3A_577 : memref<1x64xf32, #tpu.memory_space<vmem>>)
        %sub3A_581 = arith.constant 16 : i32
        %sub3A_582 = arith.subi %mul3A_207, %sub3A_581 : i32
        %add3A_583 = arith.constant 13 : i32
        %add3A_584 = arith.addi %sub3A_582, %add3A_583 : i32
        %dma_wait3A_585 = arith.constant 0 : i32
        %dma_wait3A_586 = tpu.memref_slice %arg6[%add3A_584, %dma_wait3A_585] : memref<512x64xf32, #tpu.memory_space<vmem>> -> memref<1x64xf32, #tpu.memory_space<vmem>>
        %dma_wait3A_587 = arith.constant 0 : i32
        %dma_wait3A_588 = arith.constant 0 : i32
        %dma_wait3A_589 = tpu.memref_slice %arg3[%dma_wait3A_587, %dma_wait3A_588] : memref<1000000x64xf32, #tpu.memory_space<hbm>> -> memref<1x64xf32, #tpu.memory_space<hbm>>
        %dma_wait3A_590 = arith.constant 0 : i32
        %dma_wait3A_591 = tpu.memref_slice %arg6[%add3A_584, %dma_wait3A_590] : memref<512x64xf32, #tpu.memory_space<vmem>> -> memref<1x64xf32, #tpu.memory_space<vmem>>
        %dma_wait3A_592 = arith.constant 0 : i32
        %dma_wait3A_593 = arith.constant 0 : i32
        %dma_wait3A_594 = tpu.memref_slice %arg3[%dma_wait3A_592, %dma_wait3A_593] : memref<1000000x64xf32, #tpu.memory_space<hbm>> -> memref<1x64xf32, #tpu.memory_space<hbm>>
        tpu.wait_dma2 semaphore(%arg7 : memref<!tpu.dma_semaphore, #tpu.memory_space<semaphore_mem>>) src(%dma_wait3A_594 : memref<1x64xf32, #tpu.memory_space<hbm>>) dst(%dma_wait3A_591 : memref<1x64xf32, #tpu.memory_space<vmem>>)
        %sub3A_595 = arith.constant 16 : i32
        %sub3A_596 = arith.subi %mul3A_207, %sub3A_595 : i32
        %add3A_597 = arith.constant 14 : i32
        %add3A_598 = arith.addi %sub3A_596, %add3A_597 : i32
        %dma_wait3A_599 = arith.constant 0 : i32
        %dma_wait3A_600 = tpu.memref_slice %arg6[%add3A_598, %dma_wait3A_599] : memref<512x64xf32, #tpu.memory_space<vmem>> -> memref<1x64xf32, #tpu.memory_space<vmem>>
        %dma_wait3A_601 = arith.constant 0 : i32
        %dma_wait3A_602 = arith.constant 0 : i32
        %dma_wait3A_603 = tpu.memref_slice %arg3[%dma_wait3A_601, %dma_wait3A_602] : memref<1000000x64xf32, #tpu.memory_space<hbm>> -> memref<1x64xf32, #tpu.memory_space<hbm>>
        %dma_wait3A_604 = arith.constant 0 : i32
        %dma_wait3A_605 = tpu.memref_slice %arg6[%add3A_598, %dma_wait3A_604] : memref<512x64xf32, #tpu.memory_space<vmem>> -> memref<1x64xf32, #tpu.memory_space<vmem>>
        %dma_wait3A_606 = arith.constant 0 : i32
        %dma_wait3A_607 = arith.constant 0 : i32
        %dma_wait3A_608 = tpu.memref_slice %arg3[%dma_wait3A_606, %dma_wait3A_607] : memref<1000000x64xf32, #tpu.memory_space<hbm>> -> memref<1x64xf32, #tpu.memory_space<hbm>>
        tpu.wait_dma2 semaphore(%arg7 : memref<!tpu.dma_semaphore, #tpu.memory_space<semaphore_mem>>) src(%dma_wait3A_608 : memref<1x64xf32, #tpu.memory_space<hbm>>) dst(%dma_wait3A_605 : memref<1x64xf32, #tpu.memory_space<vmem>>)
        %sub3A_609 = arith.constant 16 : i32
        %sub3A_610 = arith.subi %mul3A_207, %sub3A_609 : i32
        %add3A_611 = arith.constant 15 : i32
        %add3A_612 = arith.addi %sub3A_610, %add3A_611 : i32
        %dma_wait3A_613 = arith.constant 0 : i32
        %dma_wait3A_614 = tpu.memref_slice %arg6[%add3A_612, %dma_wait3A_613] : memref<512x64xf32, #tpu.memory_space<vmem>> -> memref<1x64xf32, #tpu.memory_space<vmem>>
        %dma_wait3A_615 = arith.constant 0 : i32
        %dma_wait3A_616 = arith.constant 0 : i32
        %dma_wait3A_617 = tpu.memref_slice %arg3[%dma_wait3A_615, %dma_wait3A_616] : memref<1000000x64xf32, #tpu.memory_space<hbm>> -> memref<1x64xf32, #tpu.memory_space<hbm>>
        %dma_wait3A_618 = arith.constant 0 : i32
        %dma_wait3A_619 = tpu.memref_slice %arg6[%add3A_612, %dma_wait3A_618] : memref<512x64xf32, #tpu.memory_space<vmem>> -> memref<1x64xf32, #tpu.memory_space<vmem>>
        %dma_wait3A_620 = arith.constant 0 : i32
        %dma_wait3A_621 = arith.constant 0 : i32
        %dma_wait3A_622 = tpu.memref_slice %arg3[%dma_wait3A_620, %dma_wait3A_621] : memref<1000000x64xf32, #tpu.memory_space<hbm>> -> memref<1x64xf32, #tpu.memory_space<hbm>>
        tpu.wait_dma2 semaphore(%arg7 : memref<!tpu.dma_semaphore, #tpu.memory_space<semaphore_mem>>) src(%dma_wait3A_622 : memref<1x64xf32, #tpu.memory_space<hbm>>) dst(%dma_wait3A_619 : memref<1x64xf32, #tpu.memory_space<vmem>>)
      } else {
      }
      %scan3A_399 = arith.constant 0 : i32
      scf.yield %scan3A_399 : i32
    }
    %scan3A_8 = arith.constant 32 : i32
    %dma_wait3A = arith.constant 496 : i32
    %dma_wait3A_9 = arith.constant 0 : i32
    %dma_wait3A_10 = tpu.memref_slice %arg6[%dma_wait3A, %dma_wait3A_9] : memref<512x64xf32, #tpu.memory_space<vmem>> -> memref<1x64xf32, #tpu.memory_space<vmem>>
    %dma_wait3A_11 = arith.constant 0 : i32
    %dma_wait3A_12 = arith.constant 0 : i32
    %dma_wait3A_13 = tpu.memref_slice %arg3[%dma_wait3A_11, %dma_wait3A_12] : memref<1000000x64xf32, #tpu.memory_space<hbm>> -> memref<1x64xf32, #tpu.memory_space<hbm>>
    %dma_wait3A_14 = arith.constant 496 : i32
    %dma_wait3A_15 = arith.constant 0 : i32
    %dma_wait3A_16 = tpu.memref_slice %arg6[%dma_wait3A_14, %dma_wait3A_15] : memref<512x64xf32, #tpu.memory_space<vmem>> -> memref<1x64xf32, #tpu.memory_space<vmem>>
    %dma_wait3A_17 = arith.constant 0 : i32
    %dma_wait3A_18 = arith.constant 0 : i32
    %dma_wait3A_19 = tpu.memref_slice %arg3[%dma_wait3A_17, %dma_wait3A_18] : memref<1000000x64xf32, #tpu.memory_space<hbm>> -> memref<1x64xf32, #tpu.memory_space<hbm>>
    tpu.wait_dma2 semaphore(%arg7 : memref<!tpu.dma_semaphore, #tpu.memory_space<semaphore_mem>>) src(%dma_wait3A_19 : memref<1x64xf32, #tpu.memory_space<hbm>>) dst(%dma_wait3A_16 : memref<1x64xf32, #tpu.memory_space<vmem>>)
    %dma_wait3A_20 = arith.constant 497 : i32
    %dma_wait3A_21 = arith.constant 0 : i32
    %dma_wait3A_22 = tpu.memref_slice %arg6[%dma_wait3A_20, %dma_wait3A_21] : memref<512x64xf32, #tpu.memory_space<vmem>> -> memref<1x64xf32, #tpu.memory_space<vmem>>
    %dma_wait3A_23 = arith.constant 0 : i32
    %dma_wait3A_24 = arith.constant 0 : i32
    %dma_wait3A_25 = tpu.memref_slice %arg3[%dma_wait3A_23, %dma_wait3A_24] : memref<1000000x64xf32, #tpu.memory_space<hbm>> -> memref<1x64xf32, #tpu.memory_space<hbm>>
    %dma_wait3A_26 = arith.constant 497 : i32
    %dma_wait3A_27 = arith.constant 0 : i32
    %dma_wait3A_28 = tpu.memref_slice %arg6[%dma_wait3A_26, %dma_wait3A_27] : memref<512x64xf32, #tpu.memory_space<vmem>> -> memref<1x64xf32, #tpu.memory_space<vmem>>
    %dma_wait3A_29 = arith.constant 0 : i32
    %dma_wait3A_30 = arith.constant 0 : i32
    %dma_wait3A_31 = tpu.memref_slice %arg3[%dma_wait3A_29, %dma_wait3A_30] : memref<1000000x64xf32, #tpu.memory_space<hbm>> -> memref<1x64xf32, #tpu.memory_space<hbm>>
    tpu.wait_dma2 semaphore(%arg7 : memref<!tpu.dma_semaphore, #tpu.memory_space<semaphore_mem>>) src(%dma_wait3A_31 : memref<1x64xf32, #tpu.memory_space<hbm>>) dst(%dma_wait3A_28 : memref<1x64xf32, #tpu.memory_space<vmem>>)
    %dma_wait3A_32 = arith.constant 498 : i32
    %dma_wait3A_33 = arith.constant 0 : i32
    %dma_wait3A_34 = tpu.memref_slice %arg6[%dma_wait3A_32, %dma_wait3A_33] : memref<512x64xf32, #tpu.memory_space<vmem>> -> memref<1x64xf32, #tpu.memory_space<vmem>>
    %dma_wait3A_35 = arith.constant 0 : i32
    %dma_wait3A_36 = arith.constant 0 : i32
    %dma_wait3A_37 = tpu.memref_slice %arg3[%dma_wait3A_35, %dma_wait3A_36] : memref<1000000x64xf32, #tpu.memory_space<hbm>> -> memref<1x64xf32, #tpu.memory_space<hbm>>
    %dma_wait3A_38 = arith.constant 498 : i32
    %dma_wait3A_39 = arith.constant 0 : i32
    %dma_wait3A_40 = tpu.memref_slice %arg6[%dma_wait3A_38, %dma_wait3A_39] : memref<512x64xf32, #tpu.memory_space<vmem>> -> memref<1x64xf32, #tpu.memory_space<vmem>>
    %dma_wait3A_41 = arith.constant 0 : i32
    %dma_wait3A_42 = arith.constant 0 : i32
    %dma_wait3A_43 = tpu.memref_slice %arg3[%dma_wait3A_41, %dma_wait3A_42] : memref<1000000x64xf32, #tpu.memory_space<hbm>> -> memref<1x64xf32, #tpu.memory_space<hbm>>
    tpu.wait_dma2 semaphore(%arg7 : memref<!tpu.dma_semaphore, #tpu.memory_space<semaphore_mem>>) src(%dma_wait3A_43 : memref<1x64xf32, #tpu.memory_space<hbm>>) dst(%dma_wait3A_40 : memref<1x64xf32, #tpu.memory_space<vmem>>)
    %dma_wait3A_44 = arith.constant 499 : i32
    %dma_wait3A_45 = arith.constant 0 : i32
    %dma_wait3A_46 = tpu.memref_slice %arg6[%dma_wait3A_44, %dma_wait3A_45] : memref<512x64xf32, #tpu.memory_space<vmem>> -> memref<1x64xf32, #tpu.memory_space<vmem>>
    %dma_wait3A_47 = arith.constant 0 : i32
    %dma_wait3A_48 = arith.constant 0 : i32
    %dma_wait3A_49 = tpu.memref_slice %arg3[%dma_wait3A_47, %dma_wait3A_48] : memref<1000000x64xf32, #tpu.memory_space<hbm>> -> memref<1x64xf32, #tpu.memory_space<hbm>>
    %dma_wait3A_50 = arith.constant 499 : i32
    %dma_wait3A_51 = arith.constant 0 : i32
    %dma_wait3A_52 = tpu.memref_slice %arg6[%dma_wait3A_50, %dma_wait3A_51] : memref<512x64xf32, #tpu.memory_space<vmem>> -> memref<1x64xf32, #tpu.memory_space<vmem>>
    %dma_wait3A_53 = arith.constant 0 : i32
    %dma_wait3A_54 = arith.constant 0 : i32
    %dma_wait3A_55 = tpu.memref_slice %arg3[%dma_wait3A_53, %dma_wait3A_54] : memref<1000000x64xf32, #tpu.memory_space<hbm>> -> memref<1x64xf32, #tpu.memory_space<hbm>>
    tpu.wait_dma2 semaphore(%arg7 : memref<!tpu.dma_semaphore, #tpu.memory_space<semaphore_mem>>) src(%dma_wait3A_55 : memref<1x64xf32, #tpu.memory_space<hbm>>) dst(%dma_wait3A_52 : memref<1x64xf32, #tpu.memory_space<vmem>>)
    %dma_wait3A_56 = arith.constant 500 : i32
    %dma_wait3A_57 = arith.constant 0 : i32
    %dma_wait3A_58 = tpu.memref_slice %arg6[%dma_wait3A_56, %dma_wait3A_57] : memref<512x64xf32, #tpu.memory_space<vmem>> -> memref<1x64xf32, #tpu.memory_space<vmem>>
    %dma_wait3A_59 = arith.constant 0 : i32
    %dma_wait3A_60 = arith.constant 0 : i32
    %dma_wait3A_61 = tpu.memref_slice %arg3[%dma_wait3A_59, %dma_wait3A_60] : memref<1000000x64xf32, #tpu.memory_space<hbm>> -> memref<1x64xf32, #tpu.memory_space<hbm>>
    %dma_wait3A_62 = arith.constant 500 : i32
    %dma_wait3A_63 = arith.constant 0 : i32
    %dma_wait3A_64 = tpu.memref_slice %arg6[%dma_wait3A_62, %dma_wait3A_63] : memref<512x64xf32, #tpu.memory_space<vmem>> -> memref<1x64xf32, #tpu.memory_space<vmem>>
    %dma_wait3A_65 = arith.constant 0 : i32
    %dma_wait3A_66 = arith.constant 0 : i32
    %dma_wait3A_67 = tpu.memref_slice %arg3[%dma_wait3A_65, %dma_wait3A_66] : memref<1000000x64xf32, #tpu.memory_space<hbm>> -> memref<1x64xf32, #tpu.memory_space<hbm>>
    tpu.wait_dma2 semaphore(%arg7 : memref<!tpu.dma_semaphore, #tpu.memory_space<semaphore_mem>>) src(%dma_wait3A_67 : memref<1x64xf32, #tpu.memory_space<hbm>>) dst(%dma_wait3A_64 : memref<1x64xf32, #tpu.memory_space<vmem>>)
    %dma_wait3A_68 = arith.constant 501 : i32
    %dma_wait3A_69 = arith.constant 0 : i32
    %dma_wait3A_70 = tpu.memref_slice %arg6[%dma_wait3A_68, %dma_wait3A_69] : memref<512x64xf32, #tpu.memory_space<vmem>> -> memref<1x64xf32, #tpu.memory_space<vmem>>
    %dma_wait3A_71 = arith.constant 0 : i32
    %dma_wait3A_72 = arith.constant 0 : i32
    %dma_wait3A_73 = tpu.memref_slice %arg3[%dma_wait3A_71, %dma_wait3A_72] : memref<1000000x64xf32, #tpu.memory_space<hbm>> -> memref<1x64xf32, #tpu.memory_space<hbm>>
    %dma_wait3A_74 = arith.constant 501 : i32
    %dma_wait3A_75 = arith.constant 0 : i32
    %dma_wait3A_76 = tpu.memref_slice %arg6[%dma_wait3A_74, %dma_wait3A_75] : memref<512x64xf32, #tpu.memory_space<vmem>> -> memref<1x64xf32, #tpu.memory_space<vmem>>
    %dma_wait3A_77 = arith.constant 0 : i32
    %dma_wait3A_78 = arith.constant 0 : i32
    %dma_wait3A_79 = tpu.memref_slice %arg3[%dma_wait3A_77, %dma_wait3A_78] : memref<1000000x64xf32, #tpu.memory_space<hbm>> -> memref<1x64xf32, #tpu.memory_space<hbm>>
    tpu.wait_dma2 semaphore(%arg7 : memref<!tpu.dma_semaphore, #tpu.memory_space<semaphore_mem>>) src(%dma_wait3A_79 : memref<1x64xf32, #tpu.memory_space<hbm>>) dst(%dma_wait3A_76 : memref<1x64xf32, #tpu.memory_space<vmem>>)
    %dma_wait3A_80 = arith.constant 502 : i32
    %dma_wait3A_81 = arith.constant 0 : i32
    %dma_wait3A_82 = tpu.memref_slice %arg6[%dma_wait3A_80, %dma_wait3A_81] : memref<512x64xf32, #tpu.memory_space<vmem>> -> memref<1x64xf32, #tpu.memory_space<vmem>>
    %dma_wait3A_83 = arith.constant 0 : i32
    %dma_wait3A_84 = arith.constant 0 : i32
    %dma_wait3A_85 = tpu.memref_slice %arg3[%dma_wait3A_83, %dma_wait3A_84] : memref<1000000x64xf32, #tpu.memory_space<hbm>> -> memref<1x64xf32, #tpu.memory_space<hbm>>
    %dma_wait3A_86 = arith.constant 502 : i32
    %dma_wait3A_87 = arith.constant 0 : i32
    %dma_wait3A_88 = tpu.memref_slice %arg6[%dma_wait3A_86, %dma_wait3A_87] : memref<512x64xf32, #tpu.memory_space<vmem>> -> memref<1x64xf32, #tpu.memory_space<vmem>>
    %dma_wait3A_89 = arith.constant 0 : i32
    %dma_wait3A_90 = arith.constant 0 : i32
    %dma_wait3A_91 = tpu.memref_slice %arg3[%dma_wait3A_89, %dma_wait3A_90] : memref<1000000x64xf32, #tpu.memory_space<hbm>> -> memref<1x64xf32, #tpu.memory_space<hbm>>
    tpu.wait_dma2 semaphore(%arg7 : memref<!tpu.dma_semaphore, #tpu.memory_space<semaphore_mem>>) src(%dma_wait3A_91 : memref<1x64xf32, #tpu.memory_space<hbm>>) dst(%dma_wait3A_88 : memref<1x64xf32, #tpu.memory_space<vmem>>)
    %dma_wait3A_92 = arith.constant 503 : i32
    %dma_wait3A_93 = arith.constant 0 : i32
    %dma_wait3A_94 = tpu.memref_slice %arg6[%dma_wait3A_92, %dma_wait3A_93] : memref<512x64xf32, #tpu.memory_space<vmem>> -> memref<1x64xf32, #tpu.memory_space<vmem>>
    %dma_wait3A_95 = arith.constant 0 : i32
    %dma_wait3A_96 = arith.constant 0 : i32
    %dma_wait3A_97 = tpu.memref_slice %arg3[%dma_wait3A_95, %dma_wait3A_96] : memref<1000000x64xf32, #tpu.memory_space<hbm>> -> memref<1x64xf32, #tpu.memory_space<hbm>>
    %dma_wait3A_98 = arith.constant 503 : i32
    %dma_wait3A_99 = arith.constant 0 : i32
    %dma_wait3A_100 = tpu.memref_slice %arg6[%dma_wait3A_98, %dma_wait3A_99] : memref<512x64xf32, #tpu.memory_space<vmem>> -> memref<1x64xf32, #tpu.memory_space<vmem>>
    %dma_wait3A_101 = arith.constant 0 : i32
    %dma_wait3A_102 = arith.constant 0 : i32
    %dma_wait3A_103 = tpu.memref_slice %arg3[%dma_wait3A_101, %dma_wait3A_102] : memref<1000000x64xf32, #tpu.memory_space<hbm>> -> memref<1x64xf32, #tpu.memory_space<hbm>>
    tpu.wait_dma2 semaphore(%arg7 : memref<!tpu.dma_semaphore, #tpu.memory_space<semaphore_mem>>) src(%dma_wait3A_103 : memref<1x64xf32, #tpu.memory_space<hbm>>) dst(%dma_wait3A_100 : memref<1x64xf32, #tpu.memory_space<vmem>>)
    %dma_wait3A_104 = arith.constant 504 : i32
    %dma_wait3A_105 = arith.constant 0 : i32
    %dma_wait3A_106 = tpu.memref_slice %arg6[%dma_wait3A_104, %dma_wait3A_105] : memref<512x64xf32, #tpu.memory_space<vmem>> -> memref<1x64xf32, #tpu.memory_space<vmem>>
    %dma_wait3A_107 = arith.constant 0 : i32
    %dma_wait3A_108 = arith.constant 0 : i32
    %dma_wait3A_109 = tpu.memref_slice %arg3[%dma_wait3A_107, %dma_wait3A_108] : memref<1000000x64xf32, #tpu.memory_space<hbm>> -> memref<1x64xf32, #tpu.memory_space<hbm>>
    %dma_wait3A_110 = arith.constant 504 : i32
    %dma_wait3A_111 = arith.constant 0 : i32
    %dma_wait3A_112 = tpu.memref_slice %arg6[%dma_wait3A_110, %dma_wait3A_111] : memref<512x64xf32, #tpu.memory_space<vmem>> -> memref<1x64xf32, #tpu.memory_space<vmem>>
    %dma_wait3A_113 = arith.constant 0 : i32
    %dma_wait3A_114 = arith.constant 0 : i32
    %dma_wait3A_115 = tpu.memref_slice %arg3[%dma_wait3A_113, %dma_wait3A_114] : memref<1000000x64xf32, #tpu.memory_space<hbm>> -> memref<1x64xf32, #tpu.memory_space<hbm>>
    tpu.wait_dma2 semaphore(%arg7 : memref<!tpu.dma_semaphore, #tpu.memory_space<semaphore_mem>>) src(%dma_wait3A_115 : memref<1x64xf32, #tpu.memory_space<hbm>>) dst(%dma_wait3A_112 : memref<1x64xf32, #tpu.memory_space<vmem>>)
    %dma_wait3A_116 = arith.constant 505 : i32
    %dma_wait3A_117 = arith.constant 0 : i32
    %dma_wait3A_118 = tpu.memref_slice %arg6[%dma_wait3A_116, %dma_wait3A_117] : memref<512x64xf32, #tpu.memory_space<vmem>> -> memref<1x64xf32, #tpu.memory_space<vmem>>
    %dma_wait3A_119 = arith.constant 0 : i32
    %dma_wait3A_120 = arith.constant 0 : i32
    %dma_wait3A_121 = tpu.memref_slice %arg3[%dma_wait3A_119, %dma_wait3A_120] : memref<1000000x64xf32, #tpu.memory_space<hbm>> -> memref<1x64xf32, #tpu.memory_space<hbm>>
    %dma_wait3A_122 = arith.constant 505 : i32
    %dma_wait3A_123 = arith.constant 0 : i32
    %dma_wait3A_124 = tpu.memref_slice %arg6[%dma_wait3A_122, %dma_wait3A_123] : memref<512x64xf32, #tpu.memory_space<vmem>> -> memref<1x64xf32, #tpu.memory_space<vmem>>
    %dma_wait3A_125 = arith.constant 0 : i32
    %dma_wait3A_126 = arith.constant 0 : i32
    %dma_wait3A_127 = tpu.memref_slice %arg3[%dma_wait3A_125, %dma_wait3A_126] : memref<1000000x64xf32, #tpu.memory_space<hbm>> -> memref<1x64xf32, #tpu.memory_space<hbm>>
    tpu.wait_dma2 semaphore(%arg7 : memref<!tpu.dma_semaphore, #tpu.memory_space<semaphore_mem>>) src(%dma_wait3A_127 : memref<1x64xf32, #tpu.memory_space<hbm>>) dst(%dma_wait3A_124 : memref<1x64xf32, #tpu.memory_space<vmem>>)
    %dma_wait3A_128 = arith.constant 506 : i32
    %dma_wait3A_129 = arith.constant 0 : i32
    %dma_wait3A_130 = tpu.memref_slice %arg6[%dma_wait3A_128, %dma_wait3A_129] : memref<512x64xf32, #tpu.memory_space<vmem>> -> memref<1x64xf32, #tpu.memory_space<vmem>>
    %dma_wait3A_131 = arith.constant 0 : i32
    %dma_wait3A_132 = arith.constant 0 : i32
    %dma_wait3A_133 = tpu.memref_slice %arg3[%dma_wait3A_131, %dma_wait3A_132] : memref<1000000x64xf32, #tpu.memory_space<hbm>> -> memref<1x64xf32, #tpu.memory_space<hbm>>
    %dma_wait3A_134 = arith.constant 506 : i32
    %dma_wait3A_135 = arith.constant 0 : i32
    %dma_wait3A_136 = tpu.memref_slice %arg6[%dma_wait3A_134, %dma_wait3A_135] : memref<512x64xf32, #tpu.memory_space<vmem>> -> memref<1x64xf32, #tpu.memory_space<vmem>>
    %dma_wait3A_137 = arith.constant 0 : i32
    %dma_wait3A_138 = arith.constant 0 : i32
    %dma_wait3A_139 = tpu.memref_slice %arg3[%dma_wait3A_137, %dma_wait3A_138] : memref<1000000x64xf32, #tpu.memory_space<hbm>> -> memref<1x64xf32, #tpu.memory_space<hbm>>
    tpu.wait_dma2 semaphore(%arg7 : memref<!tpu.dma_semaphore, #tpu.memory_space<semaphore_mem>>) src(%dma_wait3A_139 : memref<1x64xf32, #tpu.memory_space<hbm>>) dst(%dma_wait3A_136 : memref<1x64xf32, #tpu.memory_space<vmem>>)
    %dma_wait3A_140 = arith.constant 507 : i32
    %dma_wait3A_141 = arith.constant 0 : i32
    %dma_wait3A_142 = tpu.memref_slice %arg6[%dma_wait3A_140, %dma_wait3A_141] : memref<512x64xf32, #tpu.memory_space<vmem>> -> memref<1x64xf32, #tpu.memory_space<vmem>>
    %dma_wait3A_143 = arith.constant 0 : i32
    %dma_wait3A_144 = arith.constant 0 : i32
    %dma_wait3A_145 = tpu.memref_slice %arg3[%dma_wait3A_143, %dma_wait3A_144] : memref<1000000x64xf32, #tpu.memory_space<hbm>> -> memref<1x64xf32, #tpu.memory_space<hbm>>
    %dma_wait3A_146 = arith.constant 507 : i32
    %dma_wait3A_147 = arith.constant 0 : i32
    %dma_wait3A_148 = tpu.memref_slice %arg6[%dma_wait3A_146, %dma_wait3A_147] : memref<512x64xf32, #tpu.memory_space<vmem>> -> memref<1x64xf32, #tpu.memory_space<vmem>>
    %dma_wait3A_149 = arith.constant 0 : i32
    %dma_wait3A_150 = arith.constant 0 : i32
    %dma_wait3A_151 = tpu.memref_slice %arg3[%dma_wait3A_149, %dma_wait3A_150] : memref<1000000x64xf32, #tpu.memory_space<hbm>> -> memref<1x64xf32, #tpu.memory_space<hbm>>
    tpu.wait_dma2 semaphore(%arg7 : memref<!tpu.dma_semaphore, #tpu.memory_space<semaphore_mem>>) src(%dma_wait3A_151 : memref<1x64xf32, #tpu.memory_space<hbm>>) dst(%dma_wait3A_148 : memref<1x64xf32, #tpu.memory_space<vmem>>)
    %dma_wait3A_152 = arith.constant 508 : i32
    %dma_wait3A_153 = arith.constant 0 : i32
    %dma_wait3A_154 = tpu.memref_slice %arg6[%dma_wait3A_152, %dma_wait3A_153] : memref<512x64xf32, #tpu.memory_space<vmem>> -> memref<1x64xf32, #tpu.memory_space<vmem>>
    %dma_wait3A_155 = arith.constant 0 : i32
    %dma_wait3A_156 = arith.constant 0 : i32
    %dma_wait3A_157 = tpu.memref_slice %arg3[%dma_wait3A_155, %dma_wait3A_156] : memref<1000000x64xf32, #tpu.memory_space<hbm>> -> memref<1x64xf32, #tpu.memory_space<hbm>>
    %dma_wait3A_158 = arith.constant 508 : i32
    %dma_wait3A_159 = arith.constant 0 : i32
    %dma_wait3A_160 = tpu.memref_slice %arg6[%dma_wait3A_158, %dma_wait3A_159] : memref<512x64xf32, #tpu.memory_space<vmem>> -> memref<1x64xf32, #tpu.memory_space<vmem>>
    %dma_wait3A_161 = arith.constant 0 : i32
    %dma_wait3A_162 = arith.constant 0 : i32
    %dma_wait3A_163 = tpu.memref_slice %arg3[%dma_wait3A_161, %dma_wait3A_162] : memref<1000000x64xf32, #tpu.memory_space<hbm>> -> memref<1x64xf32, #tpu.memory_space<hbm>>
    tpu.wait_dma2 semaphore(%arg7 : memref<!tpu.dma_semaphore, #tpu.memory_space<semaphore_mem>>) src(%dma_wait3A_163 : memref<1x64xf32, #tpu.memory_space<hbm>>) dst(%dma_wait3A_160 : memref<1x64xf32, #tpu.memory_space<vmem>>)
    %dma_wait3A_164 = arith.constant 509 : i32
    %dma_wait3A_165 = arith.constant 0 : i32
    %dma_wait3A_166 = tpu.memref_slice %arg6[%dma_wait3A_164, %dma_wait3A_165] : memref<512x64xf32, #tpu.memory_space<vmem>> -> memref<1x64xf32, #tpu.memory_space<vmem>>
    %dma_wait3A_167 = arith.constant 0 : i32
    %dma_wait3A_168 = arith.constant 0 : i32
    %dma_wait3A_169 = tpu.memref_slice %arg3[%dma_wait3A_167, %dma_wait3A_168] : memref<1000000x64xf32, #tpu.memory_space<hbm>> -> memref<1x64xf32, #tpu.memory_space<hbm>>
    %dma_wait3A_170 = arith.constant 509 : i32
    %dma_wait3A_171 = arith.constant 0 : i32
    %dma_wait3A_172 = tpu.memref_slice %arg6[%dma_wait3A_170, %dma_wait3A_171] : memref<512x64xf32, #tpu.memory_space<vmem>> -> memref<1x64xf32, #tpu.memory_space<vmem>>
    %dma_wait3A_173 = arith.constant 0 : i32
    %dma_wait3A_174 = arith.constant 0 : i32
    %dma_wait3A_175 = tpu.memref_slice %arg3[%dma_wait3A_173, %dma_wait3A_174] : memref<1000000x64xf32, #tpu.memory_space<hbm>> -> memref<1x64xf32, #tpu.memory_space<hbm>>
    tpu.wait_dma2 semaphore(%arg7 : memref<!tpu.dma_semaphore, #tpu.memory_space<semaphore_mem>>) src(%dma_wait3A_175 : memref<1x64xf32, #tpu.memory_space<hbm>>) dst(%dma_wait3A_172 : memref<1x64xf32, #tpu.memory_space<vmem>>)
    %dma_wait3A_176 = arith.constant 510 : i32
    %dma_wait3A_177 = arith.constant 0 : i32
    %dma_wait3A_178 = tpu.memref_slice %arg6[%dma_wait3A_176, %dma_wait3A_177] : memref<512x64xf32, #tpu.memory_space<vmem>> -> memref<1x64xf32, #tpu.memory_space<vmem>>
    %dma_wait3A_179 = arith.constant 0 : i32
    %dma_wait3A_180 = arith.constant 0 : i32
    %dma_wait3A_181 = tpu.memref_slice %arg3[%dma_wait3A_179, %dma_wait3A_180] : memref<1000000x64xf32, #tpu.memory_space<hbm>> -> memref<1x64xf32, #tpu.memory_space<hbm>>
    %dma_wait3A_182 = arith.constant 510 : i32
    %dma_wait3A_183 = arith.constant 0 : i32
    %dma_wait3A_184 = tpu.memref_slice %arg6[%dma_wait3A_182, %dma_wait3A_183] : memref<512x64xf32, #tpu.memory_space<vmem>> -> memref<1x64xf32, #tpu.memory_space<vmem>>
    %dma_wait3A_185 = arith.constant 0 : i32
    %dma_wait3A_186 = arith.constant 0 : i32
    %dma_wait3A_187 = tpu.memref_slice %arg3[%dma_wait3A_185, %dma_wait3A_186] : memref<1000000x64xf32, #tpu.memory_space<hbm>> -> memref<1x64xf32, #tpu.memory_space<hbm>>
    tpu.wait_dma2 semaphore(%arg7 : memref<!tpu.dma_semaphore, #tpu.memory_space<semaphore_mem>>) src(%dma_wait3A_187 : memref<1x64xf32, #tpu.memory_space<hbm>>) dst(%dma_wait3A_184 : memref<1x64xf32, #tpu.memory_space<vmem>>)
    %dma_wait3A_188 = arith.constant 511 : i32
    %dma_wait3A_189 = arith.constant 0 : i32
    %dma_wait3A_190 = tpu.memref_slice %arg6[%dma_wait3A_188, %dma_wait3A_189] : memref<512x64xf32, #tpu.memory_space<vmem>> -> memref<1x64xf32, #tpu.memory_space<vmem>>
    %dma_wait3A_191 = arith.constant 0 : i32
    %dma_wait3A_192 = arith.constant 0 : i32
    %dma_wait3A_193 = tpu.memref_slice %arg3[%dma_wait3A_191, %dma_wait3A_192] : memref<1000000x64xf32, #tpu.memory_space<hbm>> -> memref<1x64xf32, #tpu.memory_space<hbm>>
    %dma_wait3A_194 = arith.constant 511 : i32
    %dma_wait3A_195 = arith.constant 0 : i32
    %dma_wait3A_196 = tpu.memref_slice %arg6[%dma_wait3A_194, %dma_wait3A_195] : memref<512x64xf32, #tpu.memory_space<vmem>> -> memref<1x64xf32, #tpu.memory_space<vmem>>
    %dma_wait3A_197 = arith.constant 0 : i32
    %dma_wait3A_198 = arith.constant 0 : i32
    %dma_wait3A_199 = tpu.memref_slice %arg3[%dma_wait3A_197, %dma_wait3A_198] : memref<1000000x64xf32, #tpu.memory_space<hbm>> -> memref<1x64xf32, #tpu.memory_space<hbm>>
    tpu.wait_dma2 semaphore(%arg7 : memref<!tpu.dma_semaphore, #tpu.memory_space<semaphore_mem>>) src(%dma_wait3A_199 : memref<1x64xf32, #tpu.memory_space<hbm>>) dst(%dma_wait3A_196 : memref<1x64xf32, #tpu.memory_space<vmem>>)
    "tpu.region"() ({
      %run_scoped3A = tpu.sem_alloc : memref<!tpu.dma_semaphore, #tpu.memory_space<semaphore_mem>>
      %dma_start3A = arith.constant 0 : i32
      %dma_start3A_200 = tpu.memref_slice %arg4[%mul3A_2, %dma_start3A] : memref<16384x64xf32, #tpu.memory_space<hbm>> -> memref<512x64xf32, #tpu.memory_space<hbm>>
      %dma_start3A_201 = arith.constant 0 : i32
      %dma_start3A_202 = tpu.memref_slice %arg4[%mul3A_2, %dma_start3A_201] : memref<16384x64xf32, #tpu.memory_space<hbm>> -> memref<512x64xf32, #tpu.memory_space<hbm>>
      tpu.enqueue_dma source(%arg6 : memref<512x64xf32, #tpu.memory_space<vmem>>) target(%dma_start3A_202 : memref<512x64xf32, #tpu.memory_space<hbm>>) target_semaphore(%run_scoped3A : memref<!tpu.dma_semaphore, #tpu.memory_space<semaphore_mem>>)
      %dma_wait3A_203 = arith.constant 0 : i32
      %dma_wait3A_204 = tpu.memref_slice %arg4[%mul3A_2, %dma_wait3A_203] : memref<16384x64xf32, #tpu.memory_space<hbm>> -> memref<512x64xf32, #tpu.memory_space<hbm>>
      %dma_wait3A_205 = arith.constant 0 : i32
      %dma_wait3A_206 = tpu.memref_slice %arg4[%mul3A_2, %dma_wait3A_205] : memref<16384x64xf32, #tpu.memory_space<hbm>> -> memref<512x64xf32, #tpu.memory_space<hbm>>
      tpu.wait_dma2 semaphore(%run_scoped3A : memref<!tpu.dma_semaphore, #tpu.memory_space<semaphore_mem>>) src(%arg6 : memref<512x64xf32, #tpu.memory_space<vmem>>) dst(%dma_wait3A_206 : memref<512x64xf32, #tpu.memory_space<hbm>>)
      tpu.yield
    }) : () -> ()
    return
  }
}

module attributes {stable_mosaic.version = 14 : i64} {
  func.func @_mlp_body(%arg0: i32, %arg1: memref<2048x64xf32, #tpu.memory_space<vmem>>, %arg2: memref<64x16xf32, #tpu.memory_space<vmem>>, %arg3: memref<1x16xf32, #tpu.memory_space<vmem>>, %arg4: memref<16x1xf32, #tpu.memory_space<vmem>>, %arg5: memref<1x1xf32, #tpu.memory_space<vmem>>, %arg6: memref<2048x1xf32, #tpu.memory_space<vmem>>) attributes {dimension_semantics = [#tpu.dimension_semantics<arbitrary>], iteration_bounds = array<i64: 8>, scalar_prefetch = 0 : i64, scratch_operands = 0 : i64, tpu.core_type = #tpu.core_type<tc>, window_params = [{transform_indices = @transform_0, window_bounds = array<i64: 2048, 64>}, {pipeline_mode = #tpu.pipeline_mode<synchronous>, transform_indices = @transform_1, window_bounds = array<i64: 64, 16>}, {pipeline_mode = #tpu.pipeline_mode<synchronous>, transform_indices = @transform_2, window_bounds = array<i64: 1, 16>}, {pipeline_mode = #tpu.pipeline_mode<synchronous>, transform_indices = @transform_3, window_bounds = array<i64: 16, 1>}, {pipeline_mode = #tpu.pipeline_mode<synchronous>, transform_indices = @transform_4, window_bounds = array<i64: 1, 1>}, {transform_indices = @transform_5, window_bounds = array<i64: 2048, 1>}]} {
    %get3A = arith.constant 0 : index
    %get3A_0 = arith.constant 0 : index
    %get3A_1 = vector.load %arg1[%get3A, %get3A_0] : memref<2048x64xf32, #tpu.memory_space<vmem>>, vector<2048x64xf32>
    %get3A_2 = arith.constant 0 : index
    %get3A_3 = arith.constant 0 : index
    %get3A_4 = vector.load %arg2[%get3A_2, %get3A_3] : memref<64x16xf32, #tpu.memory_space<vmem>>, vector<64x16xf32>
    %dot_general3A = arith.constant dense<0.000000e+00> : vector<2048x16xf32>
    %dot_general3A_5 = tpu.matmul %get3A_1, %get3A_4, %dot_general3A {dimension_numbers = #tpu.dot_dimension_numbers<[1], [0], [0], [1], [0, 0, 1, 1], [], []>, transpose_lhs_hint = false} : vector<2048x64xf32>, vector<64x16xf32>, vector<2048x16xf32> -> vector<2048x16xf32>
    %get3A_6 = arith.constant 0 : index
    %get3A_7 = arith.constant 0 : index
    %get3A_8 = vector.load %arg3[%get3A_6, %get3A_7] : memref<1x16xf32, #tpu.memory_space<vmem>>, vector<1x16xf32>
    %add3A = vector.broadcast %get3A_8 : vector<1x16xf32> to vector<2048x16xf32>
    %add3A_9 = arith.addf %dot_general3A_5, %add3A : vector<2048x16xf32>
    %max3A = arith.constant 0.000000e+00 : f32
    %max3A_10 = vector.broadcast %max3A : f32 to vector<2048x16xf32>
    %max3A_11 = arith.maximumf %add3A_9, %max3A_10 : vector<2048x16xf32>
    %get3A_12 = arith.constant 0 : index
    %get3A_13 = arith.constant 0 : index
    %get3A_14 = vector.load %arg4[%get3A_12, %get3A_13] : memref<16x1xf32, #tpu.memory_space<vmem>>, vector<16x1xf32>
    %dot_general3A_15 = arith.constant dense<0.000000e+00> : vector<2048x1xf32>
    %dot_general3A_16 = tpu.matmul %max3A_11, %get3A_14, %dot_general3A_15 {dimension_numbers = #tpu.dot_dimension_numbers<[1], [0], [0], [1], [0, 0, 1, 1], [], []>, transpose_lhs_hint = false} : vector<2048x16xf32>, vector<16x1xf32>, vector<2048x1xf32> -> vector<2048x1xf32>
    %get3A_17 = arith.constant 0 : index
    %get3A_18 = arith.constant 0 : index
    %get3A_19 = vector.load %arg5[%get3A_17, %get3A_18] : memref<1x1xf32, #tpu.memory_space<vmem>>, vector<1x1xf32>
    %add3A_20 = vector.broadcast %get3A_19 : vector<1x1xf32> to vector<2048x1xf32>
    %add3A_21 = arith.addf %dot_general3A_16, %add3A_20 : vector<2048x1xf32>
    %swap3A = arith.constant 0 : index
    %swap3A_22 = arith.constant 0 : index
    %swap3A_23 = vector.load %arg6[%swap3A, %swap3A_22] : memref<2048x1xf32, #tpu.memory_space<vmem>>, vector<2048x1xf32>
    tpu.vector_store %arg6[%swap3A, %swap3A_22], %add3A_21 {strides = array<i32>} : memref<2048x1xf32, #tpu.memory_space<vmem>>, vector<2048x1xf32>,
    return
  }
  func.func @transform_0(%arg0: i32) -> (i32, i32) {
    %c0_i32 = arith.constant 0 : i32
    %c0_i32_0 = arith.constant 0 : i32
    return %arg0, %c0_i32 : i32, i32
  }
  func.func @transform_1(%arg0: i32) -> (i32, i32) {
    %c0_i32 = arith.constant 0 : i32
    %c0_i32_0 = arith.constant 0 : i32
    %c0_i32_1 = arith.constant 0 : i32
    return %c0_i32, %c0_i32_0 : i32, i32
  }
  func.func @transform_2(%arg0: i32) -> (i32, i32) {
    %c0_i32 = arith.constant 0 : i32
    %c0_i32_0 = arith.constant 0 : i32
    %c0_i32_1 = arith.constant 0 : i32
    return %c0_i32, %c0_i32_0 : i32, i32
  }
  func.func @transform_3(%arg0: i32) -> (i32, i32) {
    %c0_i32 = arith.constant 0 : i32
    %c0_i32_0 = arith.constant 0 : i32
    %c0_i32_1 = arith.constant 0 : i32
    return %c0_i32, %c0_i32_0 : i32, i32
  }
  func.func @transform_4(%arg0: i32) -> (i32, i32) {
    %c0_i32 = arith.constant 0 : i32
    %c0_i32_0 = arith.constant 0 : i32
    %c0_i32_1 = arith.constant 0 : i32
    return %c0_i32, %c0_i32_0 : i32, i32
  }
  func.func @transform_5(%arg0: i32) -> (i32, i32) {
    %c0_i32 = arith.constant 0 : i32
    %c0_i32_0 = arith.constant 0 : i32
    return %arg0, %c0_i32 : i32, i32
  }
}

</mosaic_0001>

<sc_bundles>
// kernel: kernel.4.cloned.1.call-start
scs
__scs_entry_jumppad:
0x0: {  	(pc) =	sbr.rel $0x88, $3  }
0x1: {  	(tag) =	ssettag $0x0;
	lr =	simm.s32 $0x1  }
0x2: {  	[smem:$0x3F9B] =	sst lr;
	_ =	strace $0xD0000000  }
0x3: {  	_ = 	snop  }
0x4: {  	_ = 	snop  }
0x5: {  	_ = 	snop  }
0x6: {  	_ = 	snop  }
0x7: {  	_ = 	snop  }
__scs_overlays_trampoline_lowered:
0x8: {  	[smem:$0x3FAA] =	sst s0  }
0x9: {  	[smem:$0x3FAB] =	sst s1  }
0xa: {  	[smem:$0x3FAC] =	sst s2  }
0xb: {  	[smem:$0x3FAD] =	sst s3  }
0xc: {  	[smem:$0x3FAE] =	sst s4  }
0xd: {  	[smem:$0x3FAF] =	sst s5  }
0xe: {  	[smem:$0x3FB0] =	sst s6  }
0xf: {  	[smem:$0x3FB1] =	sst s7  }
0x10: {  	[smem:$0x3FB2] =	sst s8  }
0x11: {  	[smem:$0x3FB3] =	sst s9;
	s0 =	simm.s32 @!p0 $0x0  }
0x12: {  	s1 =	sld [smem:$0x3F99];
	s0 =	simm.s32 @p0 $0x1  }
0x13: {  	[smem:$0x3FB4] =	sst s0;
	s0 =	simm.s32 @!p1 $0x0  }
0x14: {  	s2 =	sld [smem:$0x3F98];
	s0 =	simm.s32 @p1 $0x1  }
0x15: {  	[smem:$0x3FB5] =	sst s0;
	s0 =	simm.s32 @!p2 $0x0  }
0x16: {  	s3 =	sld [smem:$0x3FDB];
	s0 =	simm.s32 @p2 $0x1  }
0x17: {  	s4 =	simm.s32 $0x1BF5;
	[smem:$0x3FB7] =	sst s0  }
0x18: {  	s0 =	sld [smem:$0x3F9A];
	_ =	swait.ge [sflag:s4], $0x0  }
0x19: {  	s7 =	sld [smem:$0x3F9B]  }
0x1a: {  	s8 =	sadd.s32 $0xFFFFE003, lr  }
0x1b: {  	s9 =	sadd.s32 $0xFFFFFEF7, lr;
	s5 =	simm.s32 $0xFFFFFFFF;
	p2 =	slt.u32 s8, $0xFFFFF086  }
0x1c: {  	p1 =	slt.u32 s9, $0xF7A;
	s5 =	simm.s32 @!p2 $0x0  }
0x1d: {  	s5 =	simm.s32 @p1 $0x1;
	p0 =	seq.s32 s7, s2  }
0x1e: {  	s7 =	smul.u32 @!p0 $0xF7A, s2;
	p2 =	seq.s32 @!p0 s5, $0x0  }
0x1f: {  	s9 =	smul.u32 $0xF7A, s1;
	s8 =	simm.s32 @!p0 $0x1BF5;
	p2 =	por !p2, p0  }
0x20: {  	[sflag:s8] =	ssyncset.s32 @!p0 $0xFFFFF086;
	s6 =	sadd.s32 @!p0 s3, s7;
	s7 =	simm.s32 @!p0 $0x108  }
0x21: {  	s3 =	sadd.s32 s3, s9;
	s6 =	sadd.s32 @!p0 $0x88, s6;
	s7 =	simm.s32 @p2 $0x1082  }
0x22: {  	[simem:s7], [sflag:s8] =	dma.local @!p0 [hbm:s6], $0xF7A  }
0x23: {  	s9 =	sor.u32 $0xD0000000, s2;
	s6 =	simm.s32 $0x108;
	_ =	swait.ge @!p0 [sflag:s8], $0x0  }
0x24: {  	s3 =	sadd.s32 $0x88, s3;
	s6 =	simm.s32 @!p1 $0x1082;
	[sflag:s4] =	ssyncset.s32 $0xFFFFF086  }
0x25: {  	[simem:s6], [sflag:s4] =	dma.local [hbm:s3], $0xF7A  }
0x26: {  	[smem:$0x3F9B] =	sst s1;
	(tag) =	ssettag s2;
	_ =	strace s9  }
0x27: {  	s1 =	sld [smem:$0x3FAB]  }
0x28: {  	s2 =	sld [smem:$0x3FAC]  }
0x29: {  	s4 =	sld [smem:$0x3FAE]  }
0x2a: {  	p0 =	seq.s32 s5, $0x0;
	s5 =	sld [smem:$0x3FAF]  }
0x2b: {  	s6 =	sld [smem:$0x3FB0]  }
0x2c: {  	s7 =	sld [smem:$0x3FB1]  }
0x2d: {  	s3 =	simm.s32 $0x108;
	s8 =	sld [smem:$0x3FB2]  }
0x2e: {  	s3 =	simm.s32 @!p0 $0x1082;
	s9 =	sld [smem:$0x3FB3]  }
0x2f: {  	lr =	sadd.s32 s0, s3;
	s0 =	sld [smem:$0x3FAA]  }
0x30: {  	s3 =	sld [smem:$0x3FAD]  }
0x31: {  	[smem:$0x3FB6] =	sst s10  }
0x32: {  	s10 =	sld [smem:$0x3FB4];
	_ =	sdelay $0x3  }
0x33: {  	p0 =	seq.s32 s10, $0x1;
	s10 =	sld [smem:$0x3FB6];
	_ =	sdelay $0x3  }
0x34: {  	[smem:$0x3FB6] =	sst s10  }
0x35: {  	s10 =	sld [smem:$0x3FB5];
	_ =	sdelay $0x3  }
0x36: {  	p1 =	seq.s32 s10, $0x1;
	s10 =	sld [smem:$0x3FB6];
	_ =	sdelay $0x3  }
0x37: {  	[smem:$0x3FB6] =	sst s10  }
0x38: {  	s10 =	sld [smem:$0x3FB7]  }
0x39: {  	_ = 	snop;
	(pc) =	sbr.ind lr, $3  }
0x3a: {  	_ = 	snop  }
0x3b: {  	_ = 	snop  }
0x3c: {  	p2 =	seq.s32 s10, $0x1;
	s10 =	sld [smem:$0x3FB6]  }
0x3d: {  	_ =	shalt  }
0x3e: {  	_ =	shalt  }
0x3f: {  	_ =	shalt  }
0x40: {  	_ =	shalt  }
0x41: {  	_ =	shalt  }
0x42: {  	_ =	shalt  }
0x43: {  	_ =	shalt  }
0x44: {  	_ =	shalt  }
0x45: {  	_ =	shalt  }
0x46: {  	_ =	shalt  }
0x47: {  	_ =	shalt  }
0x48: {  	_ =	shalt  }
0x49: {  	_ =	shalt  }
0x4a: {  	_ =	shalt  }
0x4b: {  	_ =	shalt  }
0x4c: {  	_ =	shalt  }
0x4d: {  	_ =	shalt  }
0x4e: {  	_ =	shalt  }
0x4f: {  	_ =	shalt  }
0x50: {  	_ =	shalt  }
0x51: {  	_ =	shalt  }
0x52: {  	_ =	shalt  }
0x53: {  	_ =	shalt  }
0x54: {  	_ =	shalt  }
0x55: {  	_ =	shalt  }
0x56: {  	_ =	shalt  }
0x57: {  	_ =	shalt  }
0x58: {  	_ =	shalt  }
0x59: {  	_ =	shalt  }
0x5a: {  	_ =	shalt  }
0x5b: {  	_ =	shalt  }
0x5c: {  	_ =	shalt  }
0x5d: {  	_ =	shalt  }
0x5e: {  	_ =	shalt  }
0x5f: {  	_ =	shalt  }
0x60: {  	_ =	shalt  }
0x61: {  	_ =	shalt  }
0x62: {  	_ =	shalt  }
0x63: {  	_ =	shalt  }
0x64: {  	_ =	shalt  }
0x65: {  	_ =	shalt  }
0x66: {  	_ =	shalt  }
0x67: {  	_ =	shalt  }
0x68: {  	_ =	shalt  }
0x69: {  	_ =	shalt  }
0x6a: {  	_ =	shalt  }
0x6b: {  	_ =	shalt  }
0x6c: {  	_ =	shalt  }
0x6d: {  	_ =	shalt  }
0x6e: {  	_ =	shalt  }
0x6f: {  	_ =	shalt  }
0x70: {  	_ =	shalt  }
0x71: {  	_ =	shalt  }
0x72: {  	_ =	shalt  }
0x73: {  	_ =	shalt  }
0x74: {  	_ =	shalt  }
0x75: {  	_ =	shalt  }
0x76: {  	_ =	shalt  }
0x77: {  	_ =	shalt  }
0x78: {  	_ =	shalt  }
0x79: {  	_ =	shalt  }
0x7a: {  	_ =	shalt  }
0x7b: {  	_ =	shalt  }
0x7c: {  	_ =	shalt  }
0x7d: {  	_ =	shalt  }
0x7e: {  	_ =	shalt  }
0x7f: {  	_ =	shalt  }
0x80: {  	_ =	shalt  }
0x81: {  	_ =	shalt  }
0x82: {  	_ =	shalt  }
0x83: {  	_ =	shalt  }
0x84: {  	_ =	shalt  }
0x85: {  	_ =	shalt  }
0x86: {  	_ =	shalt  }
0x87: {  	_ =	shalt  }
.Lfunc_end0:
.L_simem_size_0:
called_computation_lowered:
.L_overlay_start_0:
0x88: {  	s2 =	sld [smem:$0x3FD9]  }
0x89: {  	s3 =	sld [smem:$0x3FFE];
	_ =	sdelay $0x1  }
0x8a: {  	s1 =	srdreg.scid  }
0x8b: {  	s0 =	sand.u32 $0x1, s1  }
0x8c: {  	s14 =	sshll.u32 s0, $0xA;
	s2 =	sadd.s32 s3, s2  }
0x8d: {  	s2 =	sadd.s32 s2, s14  }
0x8e: {  	[smem:$0x3FC2] =	sst s2  }
0x8f: {  	_ = 	snop  }
0x90: {  	s2 =	sld [smem:$0x3FD0];
	_ =	sdelay $0x2  }
0x91: {  	s15 =	simm.s32 $0xA;
	s4 =	simm.s32 $0x10  }
0x92: {  	[smem:s4], [sflag:s15] =	dma.local [hbm:s2], $0x1  }
0x93: {  	_ =	swait.eq [sflag:s15], $0x1  }
0x94: {  	[sflag:s15] =	ssyncset.done $0x0  }
0x95: {  	[sflag:s15] =	ssyncadd.s32 $0xFFFFFFFF  }
0x96: {  	s16 =	sld [smem:$0x11];
	(tm) =	ssettm $0x1  }
0x97: {  	s17 =	sld [smem:$0x3FFB];
	_ =	sdelay $0x3  }
0x98: {  	_ =	strace s17  }
0x99: {  	s3 =	sld [smem:$0x3FFC];
	_ =	sdelay $0x3  }
0x9a: {  	_ =	strace s3  }
0x9b: {  	s3 =	sld [smem:$0x3FFD];
	_ =	sdelay $0x3  }
0x9c: {  	_ =	strace s3  }
0x9d: {  	_ =	strace $0x8FFFFFFF  }
0x9e: {  	s18 =	sld [smem:$0x3FDB];
	_ =	sdelay $0x1  }
0x9f: {  	s19 =	simm.s32 $_scs_section_size  }
0xa0: {  	s5 =	simm.s32 $_size__tile_overlayer_lowered;
	s6 =	simm.s32 $_tile_overlayer_lowered  }
0xa1: {  	s22 =	simm.s32 $0x1BFF;
	s21 =	sshll.u32 s6, $0x1;
	s3 =	sadd.s32 s19, s18  }
0xa2: {  	s7 =	simm.s32 $0x0;
	s20 =	sshll.u32 s5, $0x1;
	s5 =	sadd.s32 s21, s3  }
0xa3: {  	[timem:s7], [sflag:s22] =	dma.local [hbm:s5], s20  }
0xa4: {  	_ =	swait.ge [sflag:s22], s20  }
0xa5: {  	s4 =	ssub.s32 $0x0, s20;
	[sflag:s22] =	ssyncset.done $0x0  }
0xa6: {  	[sflag:s22] =	ssyncadd.s32 s4;
	_ =	sdelay $0x1  }
0xa7: {  	s23 =	simm.s32 $0x1B8B  }
0xa8: {  	_ =	swait.ge [sflag:s23], $0x1  }
0xa9: {  	[sflag:s23] =	ssyncset.done $0x0  }
0xaa: {  	s25 =	simm.s32 $0x1B8E;
	s24 =	sld [smem:$0x3FFE];
	[sflag:s23] =	ssyncadd.s32 $0xFFFFFFFF  }
0xab: {  	s26 =	simm.s32 $execute0_lowered;
	[smem:$0x3FD2] =	sst s25  }
0xac: {  	s5 =	sshll.u32 s26, $0x1;
	_ =	strace $0x80000046;
	[dreg:$0x1] =	wrdreg $0xFFFFFFFF  }
0xad: {  	s28 =	simm.s32 $_size_execute0_lowered;
	s3 =	sadd.s32 s3, s5;
	[dreg:$0x0] =	wrdreg $0x0  }
0xae: {  	s5 =	sshll.u32 s28, $0x1;
	[dreg:$0x2] =	wrdreg s3  }
0xaf: {  	[dreg:$0x3] =	wrdreg s5  }
0xb0: {  	[dreg:$0x4] =	wrdreg $0xC0  }
0xb1: {  	_ =	task [dreg:s7], $0x5FFFF  }
0xb2: {  	[dreg:$0x1] =	wrdreg $0xFFFFFFFF  }
0xb3: {  	[dreg:$0x0] =	wrdreg $0x60  }
0xb4: {  	[dreg:$0x2] =	wrdreg s16  }
0xb5: {  	[dreg:$0x3] =	wrdreg s24  }
0xb6: {  	[dreg:$0x4] =	wrdreg $0x9  }
0xb7: {  	_ =	task.clear_ibuf [dreg:s7], $0x5FFFF;
	_ =	strace $0x90000046  }
0xb8: {  	s29 =	simm.s32 $0x9;
	_ =	strace $0x80000048  }
0xb9: {  	_ =	swait.ge [sflag:s29], $0x1  }
0xba: {  	[sflag:s29] =	ssyncadd.s32 $0xFFFFFFFF  }
0xbb: {  	_ =	strace $0x90000048  }
0xbc: {  	_ =	sfence  }
0xbd: {  	s30 =	sld [smem:$0x0];
	_ =	sdelay $0x2  }
0xbe: {  	s31 =	sshll.u32 s1, $0xD;
	s1 =	sshrl.u32 s1, $0x2  }
0xbf: {  	s3 =	sand.u32 $0x4000, s31;
	s1 =	sadd.s32 s1, s30  }
0xc0: {  	s0 =	sor.u32 s3, s0;
	s1 =	sshll.u32 s1, $0x11  }
0xc1: {  	s0 =	sor.u32 s1, s0  }
0xc2: {  	s0 =	sadd.s32 $0x8F2B, s0  }
0xc3: {  	[sflag:s0] =	ssyncadd.remote.s32 $0x1  }
0xc4: {  	_ =	sfence.sel $0xFFFF  }
0xc5: {  	[dreg:$0x0] =	wrdreg $0xFFFFFFFF;
	(pc) =	sbr.abs _section_cstart, $3  }
0xc6: {  	[dreg:$0x1] =	wrdreg $0xFFFFFFFF  }
0xc7: {  	_ =	task.clear_ibuf [dreg:s7], $0x2FFFF;
	_ =	strace $0x9FFFFFFF  }
0xc8: {  	(tm) =	ssettm $0x7FFFFFFF  }
0xc9: {  	_ =	shalt  }
tec
execute0_lowered:
.L_overlay_start_1:
0x0: {  	(tag) =	ssettag $0x1  }
0x1: {  	s4 =	rddreg [dreg:$0x0]  }
0x2: {  	s5 =	rddreg [dreg:$0x1]  }
0x3: {  	s3 =	srdreg.scid;
	s0 =	stileid.u32;
	s2 =	simm.s32 $0x0  }
0x4: {  	s10 =	simm.s32 $0x1;
	s11 =	simm.s32 $0x200;
	s12 =	simm.s32 $0x0  }
0x5: {  	s6 =	sand.u32 $0x1, s3;
	s30 =	sshll.u32 s0, $0x1;
	[smem:$0x7FF] =	sst s2  }
0x6: {  	s3 =	sadd.s32 $0xA00, s5;
	s31 =	sshll.u32 s0, $0x7;
	s7 =	sor.u32 s6, s30  }
0x7: {  	_ =	strace $0x80000047;
	s6 =	ssub.s32 $0x2, s6;
	s8 =	sshll.u32 s7, $0xD  }
0x8: {  	s9 =	sshrl.u32 s6, $0x1;
	s7 =	sshll.u32 s7, $0x4;
	s5 =	sadd.s32 s8, s5  }
0x9: {  	s8 =	sand.u32 $0x600, s31;
	s6 =	ssub.s32 s6, s9;
	s7 =	sand.u32 $0x70, s7  }
0xa: {  	s9 =	simm.s32 $0x2;
	s4 =	sadd.s32 s4, s8;
	s5 =	sadd.s32 $0xF42E00, s5  }
0xb: {  	s6 =	smax.u32 s6, $0x1;
	s8 =	simm.s32 $0x400;
	s4 =	sadd.s32 s7, s4  }
.LBB2_1:
0xc: {  	s0 =	simm.s32 $0x80  }
0xd: {  	[tilespmem:s2], [sflag:$0x2] =	stream.strided.gather [hbm4b:s4+s0], $0x200, s8, s0, $0x38;
	[tilespmem:$0x10200] =	vst v63  }
0xe: {  	_ =	swait.ge [sflag:s9], $0x200  }
0xf: {  	[sflag:s9] =	ssyncset.done $0x0  }
0x10: {  	[sflag:s9] =	ssyncadd.s32 $0xFFFFFE00  }
0x11: {  	v0 =	vld [tilespmem:s2+$0x0];
	_ =	sdelay $0x4  }
0x12: {  	v0 =	vshll.u32 v0, $0x4  }
0x13: {  	(v2sf) =	vpush v0, $0x0  }
0x14: {  	(v2sf) =	vpush v0, $0x1  }
0x15: {  	(v2sf) =	vpush v0, $0x2;
	_ =	sdelay $0x1  }
0x16: {  	(v2sf) =	vpush v0, $0x3;
	_ =	sdelay $0x1  }
0x17: {  	(v2sf) =	vpush v0, $0x4;
	_ =	sdelay $0x1  }
0x18: {  	(v2sf) =	vpush v0, $0x5;
	_ =	sdelay $0x1  }
0x19: {  	(v2sf) =	vpush v0, $0x6  }
0x1a: {  	s15 =	simm.s32 $0x280;
	s16 =	simm.s32 $0x380;
	s17 =	simm.s32 $0x400  }
0x1b: {  	s18 =	simm.s32 $0x200;
	s19 =	simm.s32 $0x300;
	s20 =	simm.s32 $0x480;
	(v2sf) =	vpush v0, $0x7  }
0x1c: {  	p0 =	por $0x1, $0x1;
	s14 =	simm.s32 $0x800;
	s13 =	simm.s32 $0x880  }
0x1d: {  	s21 =	simm.s32 $0x500;
	s22 =	simm.s32 $0x600;
	s23 =	simm.s32 $0x780;
	(v2sf) =	vpush v0, $0x8  }
0x1e: {  	s24 =	simm.s32 $0x580;
	s25 =	simm.s32 $0x700;
	s26 =	spop (v2sf)  }
0x1f: {  	s28 =	simm.s32 $0x680;
	(v2sf) =	vpush v0, $0x9;
	s26 =	sand.u32 $0x1FFFFFF0, s26;
	s29 =	spop (v2sf)  }
0x20: {  	s26 =	sadd.s32 s3, s26;
	s29 =	sand.u32 $0x1FFFFFF0, s29;
	s30 =	spop (v2sf)  }
0x21: {  	(v2sf) =	vpush v0, $0xA;
	[tilespmem:s18], [sflag:$0x1] =	stream.linear.gather [hbm4b:s26+s2], $0x80, $0x38;
	[tilespmem:$0x10200] =	vst v63  }
0x22: {  	s0 =	sadd.s32 s3, s29;
	s1 =	sand.u32 $0x1FFFFFF0, s30;
	s7 =	spop (v2sf)  }
0x23: {  	(v2sf) =	vpush v0, $0xB;
	[tilespmem:s15], [sflag:$0x1] =	stream.linear.gather [hbm4b:s0+s2], $0x80, $0x38;
	[tilespmem:$0x10200] =	vst v63  }
0x24: {  	s26 =	sadd.s32 s3, s1;
	s30 =	sand.u32 $0x1FFFFFF0, s7;
	s31 =	spop (v2sf)  }
0x25: {  	(v2sf) =	vpush v0, $0xC;
	[tilespmem:s19], [sflag:$0x1] =	stream.linear.gather [hbm4b:s26+s2], $0x80, $0x38;
	[tilespmem:$0x10200] =	vst v63  }
0x26: {  	s0 =	sadd.s32 s3, s30;
	s1 =	sand.u32 $0x1FFFFFF0, s31;
	s7 =	spop (v2sf)  }
0x27: {  	(v2sf) =	vpush v0, $0xD;
	[tilespmem:s16], [sflag:$0x1] =	stream.linear.gather [hbm4b:s0+s2], $0x80, $0x38;
	[tilespmem:$0x10200] =	vst v63  }
0x28: {  	s18 =	sadd.s32 s3, s1;
	s19 =	sand.u32 $0x1FFFFFF0, s7;
	s26 =	spop (v2sf)  }
0x29: {  	(v2sf) =	vpush v0, $0xE;
	[tilespmem:s17], [sflag:$0x1] =	stream.linear.gather [hbm4b:s18+s2], $0x80, $0x38;
	[tilespmem:$0x10200] =	vst v63  }
0x2a: {  	s29 =	sadd.s32 s3, s19;
	s30 =	sand.u32 $0x1FFFFFF0, s26;
	s31 =	spop (v2sf)  }
0x2b: {  	(v2sf) =	vpush v0, $0xF;
	[tilespmem:s20], [sflag:$0x1] =	stream.linear.gather [hbm4b:s29+s2], $0x80, $0x38;
	[tilespmem:$0x10200] =	vst v63  }
0x2c: {  	s0 =	sadd.s32 s3, s30;
	s1 =	sand.u32 $0x1FFFFFF0, s31;
	s7 =	spop (v2sf)  }
0x2d: {  	[tilespmem:s21], [sflag:$0x1] =	stream.linear.gather [hbm4b:s0+s2], $0x80, $0x38;
	[tilespmem:$0x10200] =	vst v63  }
0x2e: {  	s19 =	sand.u32 $0x1FFFFFF0, s7;
	s18 =	sadd.s32 s3, s1;
	s20 =	spop (v2sf)  }
0x2f: {  	[tilespmem:s24], [sflag:$0x1] =	stream.linear.gather [hbm4b:s18+s2], $0x80, $0x38;
	[tilespmem:$0x10200] =	vst v63  }
0x30: {  	s21 =	sadd.s32 s3, s19;
	s26 =	spop (v2sf);
	s24 =	sand.u32 $0x1FFFFFF0, s20  }
0x31: {  	[tilespmem:s22], [sflag:$0x1] =	stream.linear.gather [hbm4b:s21+s2], $0x80, $0x38;
	[tilespmem:$0x10200] =	vst v63  }
0x32: {  	s30 =	sand.u32 $0x1FFFFFF0, s26;
	s31 =	spop (v2sf);
	s29 =	sadd.s32 s3, s24  }
0x33: {  	[tilespmem:s28], [sflag:$0x1] =	stream.linear.gather [hbm4b:s29+s2], $0x80, $0x38;
	[tilespmem:$0x10200] =	vst v63  }
0x34: {  	s0 =	sadd.s32 s3, s30;
	s1 =	sand.u32 $0x1FFFFFF0, s31;
	s7 =	spop (v2sf)  }
0x35: {  	[tilespmem:s25], [sflag:$0x1] =	stream.linear.gather [hbm4b:s0+s2], $0x80, $0x38;
	[tilespmem:$0x10200] =	vst v63  }
0x36: {  	s16 =	sadd.s32 s3, s1;
	s18 =	sand.u32 $0x1FFFFFF0, s7;
	s19 =	spop (v2sf)  }
0x37: {  	[tilespmem:s23], [sflag:$0x1] =	stream.linear.gather [hbm4b:s16+s2], $0x80, $0x38;
	[tilespmem:$0x10200] =	vst v63  }
0x38: {  	s20 =	sadd.s32 s3, s18;
	s21 =	sand.u32 $0x1FFFFFF0, s19;
	s22 =	spop (v2sf)  }
0x39: {  	[tilespmem:s14], [sflag:$0x1] =	stream.linear.gather [hbm4b:s20+s2], $0x80, $0x38;
	[tilespmem:$0x10200] =	vst v63  }
0x3a: {  	s24 =	sand.u32 $0x1FFFFFF0, s22;
	s25 =	spop (v2sf);
	s23 =	sadd.s32 s3, s21  }
0x3b: {  	[tilespmem:s13], [sflag:$0x1] =	stream.linear.gather [hbm4b:s23+s2], $0x80, $0x38;
	[tilespmem:$0x10200] =	vst v63  }
0x3c: {  	s26 =	simm.s32 $0x900;
	s28 =	sadd.s32 s3, s24;
	s29 =	sand.u32 $0x1FFFFFF0, s25  }
0x3d: {  	[tilespmem:s26], [sflag:$0x1] =	stream.linear.gather [hbm4b:s28+s2], $0x80, $0x38;
	[tilespmem:$0x10200] =	vst v63  }
0x3e: {  	s15 =	simm.s32 @!p0 $0x1;
	s30 =	simm.s32 $0x980;
	s31 =	sadd.s32 s3, s29  }
0x3f: {  	[tilespmem:s30], [sflag:$0x1] =	stream.linear.gather [hbm4b:s31+s2], $0x80, $0x38;
	[tilespmem:$0x10200] =	vst v63  }
0x40: {  	_ =	swait.ge @!p0 [sflag:s15], $0x80  }
0x41: {  	[sflag:s15] =	ssyncset.done @!p0 $0x0  }
0x42: {  	[sflag:s15] =	ssyncadd.s32 @!p0 $0xFFFFFF80  }
0x43: {  	_ =	swait.ge @!p0 [sflag:s15], $0x80  }
0x44: {  	[sflag:s15] =	ssyncset.done @!p0 $0x0  }
0x45: {  	[sflag:s15] =	ssyncadd.s32 @!p0 $0xFFFFFF80  }
0x46: {  	_ =	swait.ge @!p0 [sflag:s15], $0x80  }
0x47: {  	[sflag:s15] =	ssyncset.done @!p0 $0x0  }
0x48: {  	[sflag:s15] =	ssyncadd.s32 @!p0 $0xFFFFFF80  }
0x49: {  	_ =	swait.ge @!p0 [sflag:s15], $0x80  }
0x4a: {  	[sflag:s15] =	ssyncset.done @!p0 $0x0  }
0x4b: {  	[sflag:s15] =	ssyncadd.s32 @!p0 $0xFFFFFF80  }
0x4c: {  	_ =	swait.ge @!p0 [sflag:s15], $0x80  }
0x4d: {  	[sflag:s15] =	ssyncset.done @!p0 $0x0  }
0x4e: {  	[sflag:s15] =	ssyncadd.s32 @!p0 $0xFFFFFF80  }
0x4f: {  	_ =	swait.ge @!p0 [sflag:s15], $0x80  }
0x50: {  	[sflag:s15] =	ssyncset.done @!p0 $0x0  }
0x51: {  	[sflag:s15] =	ssyncadd.s32 @!p0 $0xFFFFFF80  }
0x52: {  	_ =	swait.ge @!p0 [sflag:s15], $0x80  }
0x53: {  	[sflag:s15] =	ssyncset.done @!p0 $0x0  }
0x54: {  	[sflag:s15] =	ssyncadd.s32 @!p0 $0xFFFFFF80  }
0x55: {  	_ =	swait.ge @!p0 [sflag:s15], $0x80  }
0x56: {  	[sflag:s15] =	ssyncset.done @!p0 $0x0  }
0x57: {  	[sflag:s15] =	ssyncadd.s32 @!p0 $0xFFFFFF80  }
0x58: {  	_ =	swait.ge @!p0 [sflag:s15], $0x80  }
0x59: {  	[sflag:s15] =	ssyncset.done @!p0 $0x0  }
0x5a: {  	[sflag:s15] =	ssyncadd.s32 @!p0 $0xFFFFFF80  }
0x5b: {  	_ =	swait.ge @!p0 [sflag:s15], $0x80  }
0x5c: {  	[sflag:s15] =	ssyncset.done @!p0 $0x0  }
0x5d: {  	[sflag:s15] =	ssyncadd.s32 @!p0 $0xFFFFFF80  }
0x5e: {  	_ =	swait.ge @!p0 [sflag:s15], $0x80  }
0x5f: {  	[sflag:s15] =	ssyncset.done @!p0 $0x0  }
0x60: {  	[sflag:s15] =	ssyncadd.s32 @!p0 $0xFFFFFF80  }
0x61: {  	_ =	swait.ge @!p0 [sflag:s15], $0x80  }
0x62: {  	[sflag:s15] =	ssyncset.done @!p0 $0x0  }
0x63: {  	[sflag:s15] =	ssyncadd.s32 @!p0 $0xFFFFFF80  }
0x64: {  	_ =	swait.ge @!p0 [sflag:s15], $0x80  }
0x65: {  	[sflag:s15] =	ssyncset.done @!p0 $0x0  }
0x66: {  	[sflag:s15] =	ssyncadd.s32 @!p0 $0xFFFFFF80  }
0x67: {  	s14 =	simm.s32 $0x0;
	s13 =	simm.s32 $0x2000;
	_ =	swait.ge @!p0 [sflag:s15], $0x80  }
.LBB2_2:
0x68: {  	[sflag:s15] =	ssyncset.done @!p0 $0x0  }
0x69: {  	s14 =	sadd.s32 $0x10, s14;
	s16 =	smov.u32 s13;
	s13 =	sadd.s32 $0x2000, s13  }
0x6a: {  	p1 =	sne.s32 s13, $0x40000;
	[sflag:s15] =	ssyncadd.s32 @!p0 $0xFFFFFF80  }
0x6b: {  	_ =	swait.ge @!p0 [sflag:s15], $0x80  }
0x6c: {  	[sflag:s15] =	ssyncset.done @!p0 $0x0  }
0x6d: {  	[sflag:s15] =	ssyncadd.s32 @!p0 $0xFFFFFF80  }
0x6e: {  	_ =	swait.ge @!p0 [sflag:s15], $0x80  }
0x6f: {  	[sflag:s15] =	ssyncset.done @!p0 $0x0  }
0x70: {  	[sflag:s15] =	ssyncadd.s32 @!p0 $0xFFFFFF80  }
0x71: {  	v0 =	vld [tilespmem:s14+$0x0];
	_ =	sdelay $0x4  }
0x72: {  	v0 =	vshll.u32 v0, $0x4  }
0x73: {  	(v2sf) =	vpush v0, $0x0  }
0x74: {  	(v2sf) =	vpush v0, $0x1  }
0x75: {  	(v2sf) =	vpush v0, $0x2;
	_ =	sdelay $0x1  }
0x76: {  	(v2sf) =	vpush v0, $0x3;
	_ =	sdelay $0x1  }
0x77: {  	(v2sf) =	vpush v0, $0x4;
	_ =	sdelay $0x1  }
0x78: {  	(v2sf) =	vpush v0, $0x5  }
0x79: {  	s15 =	sshra.s32 s16, $0x2  }
0x7a: {  	s23 =	sadd.s32 $0x280, s15;
	s24 =	sadd.s32 $0x380, s15;
	s25 =	sadd.s32 $0x400, s15;
	(v2sf) =	vpush v0, $0x6  }
0x7b: {  	s26 =	sadd.s32 $0x200, s15;
	s28 =	sadd.s32 $0x300, s15  }
0x7c: {  	p0 =	seq.s32 s16, $0x0;
	s29 =	sadd.s32 $0x480, s15;
	(v2sf) =	vpush v0, $0x7  }
0x7d: {  	s18 =	sadd.s32 $0x800, s15;
	s17 =	sadd.s32 $0x880, s15;
	s16 =	sadd.s32 $0x980, s15  }
0x7e: {  	s30 =	sadd.s32 $0x500, s15;
	s21 =	sadd.s32 $0x600, s15;
	s19 =	sadd.s32 $0x780, s15;
	(v2sf) =	vpush v0, $0x8  }
0x7f: {  	s31 =	sadd.s32 $0x580, s15;
	s20 =	sadd.s32 $0x700, s15;
	s22 =	spop (v2sf)  }
0x80: {  	s0 =	sand.u32 $0x1FFFFFF0, s22;
	s22 =	sadd.s32 $0x680, s15;
	s1 =	spop (v2sf);
	(v2sf) =	vpush v0, $0x9  }
0x81: {  	s0 =	sadd.s32 s3, s0;
	s1 =	sand.u32 $0x1FFFFFF0, s1;
	s7 =	spop (v2sf)  }
0x82: {  	[tilespmem:s26], [sflag:$0x1] =	stream.linear.gather [hbm4b:s0+s2], $0x80, $0x38;
	(v2sf) =	vpush v0, $0xA;
	[tilespmem:$0x10200] =	vst v63  }
0x83: {  	s0 =	sadd.s32 s3, s1;
	s1 =	sand.u32 $0x1FFFFFF0, s7;
	s7 =	spop (v2sf)  }
0x84: {  	[tilespmem:s23], [sflag:$0x1] =	stream.linear.gather [hbm4b:s0+s2], $0x80, $0x38;
	(v2sf) =	vpush v0, $0xB;
	[tilespmem:$0x10200] =	vst v63  }
0x85: {  	s0 =	sadd.s32 s3, s1;
	s1 =	sand.u32 $0x1FFFFFF0, s7;
	s7 =	spop (v2sf)  }
0x86: {  	[tilespmem:s28], [sflag:$0x1] =	stream.linear.gather [hbm4b:s0+s2], $0x80, $0x38;
	(v2sf) =	vpush v0, $0xC;
	[tilespmem:$0x10200] =	vst v63  }
0x87: {  	s0 =	sadd.s32 s3, s1;
	s1 =	sand.u32 $0x1FFFFFF0, s7;
	s7 =	spop (v2sf)  }
0x88: {  	[tilespmem:s24], [sflag:$0x1] =	stream.linear.gather [hbm4b:s0+s2], $0x80, $0x38;
	(v2sf) =	vpush v0, $0xD;
	[tilespmem:$0x10200] =	vst v63  }
0x89: {  	s0 =	sadd.s32 s3, s1;
	s1 =	sand.u32 $0x1FFFFFF0, s7;
	s7 =	spop (v2sf)  }
0x8a: {  	[tilespmem:s25], [sflag:$0x1] =	stream.linear.gather [hbm4b:s0+s2], $0x80, $0x38;
	(v2sf) =	vpush v0, $0xE;
	[tilespmem:$0x10200] =	vst v63  }
0x8b: {  	s0 =	sadd.s32 s3, s1;
	s1 =	sand.u32 $0x1FFFFFF0, s7;
	s7 =	spop (v2sf)  }
0x8c: {  	[tilespmem:s29], [sflag:$0x1] =	stream.linear.gather [hbm4b:s0+s2], $0x80, $0x38;
	(v2sf) =	vpush v0, $0xF;
	[tilespmem:$0x10200] =	vst v63  }
0x8d: {  	s0 =	sadd.s32 s3, s1;
	s1 =	sand.u32 $0x1FFFFFF0, s7;
	s7 =	spop (v2sf)  }
0x8e: {  	[tilespmem:s30], [sflag:$0x1] =	stream.linear.gather [hbm4b:s0+s2], $0x80, $0x38;
	[tilespmem:$0x10200] =	vst v63  }
0x8f: {  	s0 =	sadd.s32 s3, s1;
	s1 =	sand.u32 $0x1FFFFFF0, s7;
	s7 =	spop (v2sf)  }
0x90: {  	[tilespmem:s31], [sflag:$0x1] =	stream.linear.gather [hbm4b:s0+s2], $0x80, $0x38;
	[tilespmem:$0x10200] =	vst v63  }
0x91: {  	s0 =	sadd.s32 s3, s1;
	s1 =	sand.u32 $0x1FFFFFF0, s7;
	s7 =	spop (v2sf)  }
0x92: {  	[tilespmem:s21], [sflag:$0x1] =	stream.linear.gather [hbm4b:s0+s2], $0x80, $0x38;
	[tilespmem:$0x10200] =	vst v63  }
0x93: {  	s0 =	sadd.s32 s3, s1;
	s1 =	sand.u32 $0x1FFFFFF0, s7;
	s7 =	spop (v2sf)  }
0x94: {  	[tilespmem:s22], [sflag:$0x1] =	stream.linear.gather [hbm4b:s0+s2], $0x80, $0x38;
	[tilespmem:$0x10200] =	vst v63  }
0x95: {  	s0 =	sadd.s32 s3, s1;
	s1 =	sand.u32 $0x1FFFFFF0, s7;
	s7 =	spop (v2sf)  }
0x96: {  	[tilespmem:s20], [sflag:$0x1] =	stream.linear.gather [hbm4b:s0+s2], $0x80, $0x38;
	[tilespmem:$0x10200] =	vst v63  }
0x97: {  	s0 =	sadd.s32 s3, s1;
	s1 =	sand.u32 $0x1FFFFFF0, s7;
	s7 =	spop (v2sf)  }
0x98: {  	[tilespmem:s19], [sflag:$0x1] =	stream.linear.gather [hbm4b:s0+s2], $0x80, $0x38;
	[tilespmem:$0x10200] =	vst v63  }
0x99: {  	s0 =	sadd.s32 s3, s1;
	s1 =	sand.u32 $0x1FFFFFF0, s7;
	s7 =	spop (v2sf)  }
0x9a: {  	[tilespmem:s18], [sflag:$0x1] =	stream.linear.gather [hbm4b:s0+s2], $0x80, $0x38;
	[tilespmem:$0x10200] =	vst v63  }
0x9b: {  	s0 =	sadd.s32 s3, s1;
	s1 =	sand.u32 $0x1FFFFFF0, s7;
	s7 =	spop (v2sf)  }
0x9c: {  	[tilespmem:s17], [sflag:$0x1] =	stream.linear.gather [hbm4b:s0+s2], $0x80, $0x38;
	[tilespmem:$0x10200] =	vst v63  }
0x9d: {  	s1 =	sadd.s32 s3, s1;
	s0 =	sadd.s32 $0x900, s15;
	s7 =	sand.u32 $0x1FFFFFF0, s7  }
0x9e: {  	[tilespmem:s0], [sflag:$0x1] =	stream.linear.gather [hbm4b:s1+s2], $0x80, $0x38;
	[tilespmem:$0x10200] =	vst v63  }
0x9f: {  	s15 =	simm.s32 @!p0 $0x1;
	s0 =	sadd.s32 s3, s7  }
0xa0: {  	[tilespmem:s16], [sflag:$0x1] =	stream.linear.gather [hbm4b:s0+s2], $0x80, $0x38;
	[tilespmem:$0x10200] =	vst v63  }
0xa1: {  	_ =	swait.ge @!p0 [sflag:s15], $0x80  }
0xa2: {  	[sflag:s15] =	ssyncset.done @!p0 $0x0  }
0xa3: {  	[sflag:s15] =	ssyncadd.s32 @!p0 $0xFFFFFF80  }
0xa4: {  	_ =	swait.ge @!p0 [sflag:s15], $0x80  }
0xa5: {  	[sflag:s15] =	ssyncset.done @!p0 $0x0  }
0xa6: {  	[sflag:s15] =	ssyncadd.s32 @!p0 $0xFFFFFF80  }
0xa7: {  	_ =	swait.ge @!p0 [sflag:s15], $0x80  }
0xa8: {  	[sflag:s15] =	ssyncset.done @!p0 $0x0  }
0xa9: {  	[sflag:s15] =	ssyncadd.s32 @!p0 $0xFFFFFF80  }
0xaa: {  	_ =	swait.ge @!p0 [sflag:s15], $0x80  }
0xab: {  	[sflag:s15] =	ssyncset.done @!p0 $0x0  }
0xac: {  	[sflag:s15] =	ssyncadd.s32 @!p0 $0xFFFFFF80  }
0xad: {  	_ =	swait.ge @!p0 [sflag:s15], $0x80  }
0xae: {  	[sflag:s15] =	ssyncset.done @!p0 $0x0  }
0xaf: {  	[sflag:s15] =	ssyncadd.s32 @!p0 $0xFFFFFF80  }
0xb0: {  	_ =	swait.ge @!p0 [sflag:s15], $0x80  }
0xb1: {  	[sflag:s15] =	ssyncset.done @!p0 $0x0  }
0xb2: {  	[sflag:s15] =	ssyncadd.s32 @!p0 $0xFFFFFF80  }
0xb3: {  	_ =	swait.ge @!p0 [sflag:s15], $0x80  }
0xb4: {  	[sflag:s15] =	ssyncset.done @!p0 $0x0  }
0xb5: {  	[sflag:s15] =	ssyncadd.s32 @!p0 $0xFFFFFF80  }
0xb6: {  	_ =	swait.ge @!p0 [sflag:s15], $0x80  }
0xb7: {  	[sflag:s15] =	ssyncset.done @!p0 $0x0  }
0xb8: {  	[sflag:s15] =	ssyncadd.s32 @!p0 $0xFFFFFF80  }
0xb9: {  	_ =	swait.ge @!p0 [sflag:s15], $0x80  }
0xba: {  	[sflag:s15] =	ssyncset.done @!p0 $0x0  }
0xbb: {  	[sflag:s15] =	ssyncadd.s32 @!p0 $0xFFFFFF80  }
0xbc: {  	_ =	swait.ge @!p0 [sflag:s15], $0x80  }
0xbd: {  	[sflag:s15] =	ssyncset.done @!p0 $0x0  }
0xbe: {  	[sflag:s15] =	ssyncadd.s32 @!p0 $0xFFFFFF80  }
0xbf: {  	_ =	swait.ge @!p0 [sflag:s15], $0x80  }
0xc0: {  	[sflag:s15] =	ssyncset.done @!p0 $0x0  }
0xc1: {  	[sflag:s15] =	ssyncadd.s32 @!p0 $0xFFFFFF80  }
0xc2: {  	_ =	swait.ge @!p0 [sflag:s15], $0x80  }
0xc3: {  	[sflag:s15] =	ssyncset.done @!p0 $0x0  }
.Ltmp0:
0xc4: {  	[sflag:s15] =	ssyncadd.s32 @!p0 $0xFFFFFF80;
	(pc) =	sbr.rel @p1 .LBB2_2-.Ltmp0, $4  }
0xc5: {  	_ =	swait.ge @!p0 [sflag:s15], $0x80  }
0xc6: {  	[sflag:s15] =	ssyncset.done @!p0 $0x0  }
0xc7: {  	[sflag:s15] =	ssyncadd.s32 @!p0 $0xFFFFFF80  }
0xc8: {  	_ =	swait.ge @!p0 [sflag:s15], $0x80  }
0xc9: {  	[sflag:s15] =	ssyncset.done @!p0 $0x0  }
0xca: {  	[sflag:s15] =	ssyncadd.s32 @!p0 $0xFFFFFF80  }
0xcb: {  	_ =	swait.ge @!p0 [sflag:s15], $0x80  }
0xcc: {  	[sflag:s15] =	ssyncset.done @!p0 $0x0  }
0xcd: {  	[sflag:s15] =	ssyncadd.s32 @!p0 $0xFFFFFF80  }
0xce: {  	_ =	swait.ge @!p0 [sflag:s15], $0x80  }
0xcf: {  	[sflag:s15] =	ssyncset.done @!p0 $0x0  }
0xd0: {  	[sflag:s15] =	ssyncadd.s32 @!p0 $0xFFFFFF80  }
0xd1: {  	_ =	swait.ge [sflag:s10], $0x80  }
0xd2: {  	[sflag:s10] =	ssyncset.done $0x0  }
0xd3: {  	[sflag:s10] =	ssyncadd.s32 $0xFFFFFF80  }
0xd4: {  	_ =	swait.ge [sflag:s10], $0x80  }
0xd5: {  	[sflag:s10] =	ssyncset.done $0x0  }
0xd6: {  	[sflag:s10] =	ssyncadd.s32 $0xFFFFFF80  }
0xd7: {  	_ =	swait.ge [sflag:s10], $0x80  }
0xd8: {  	[sflag:s10] =	ssyncset.done $0x0  }
0xd9: {  	[sflag:s10] =	ssyncadd.s32 $0xFFFFFF80  }
0xda: {  	_ =	swait.ge [sflag:s10], $0x80  }
0xdb: {  	[sflag:s10] =	ssyncset.done $0x0  }
0xdc: {  	[sflag:s10] =	ssyncadd.s32 $0xFFFFFF80  }
0xdd: {  	_ =	swait.ge [sflag:s10], $0x80  }
0xde: {  	[sflag:s10] =	ssyncset.done $0x0  }
0xdf: {  	[sflag:s10] =	ssyncadd.s32 $0xFFFFFF80  }
0xe0: {  	_ =	swait.ge [sflag:s10], $0x80  }
0xe1: {  	[sflag:s10] =	ssyncset.done $0x0  }
0xe2: {  	[sflag:s10] =	ssyncadd.s32 $0xFFFFFF80  }
0xe3: {  	_ =	swait.ge [sflag:s10], $0x80  }
0xe4: {  	[sflag:s10] =	ssyncset.done $0x0  }
0xe5: {  	[sflag:s10] =	ssyncadd.s32 $0xFFFFFF80  }
0xe6: {  	_ =	swait.ge [sflag:s10], $0x80  }
0xe7: {  	[sflag:s10] =	ssyncset.done $0x0  }
0xe8: {  	[sflag:s10] =	ssyncadd.s32 $0xFFFFFF80  }
0xe9: {  	_ =	swait.ge [sflag:s10], $0x80  }
0xea: {  	[sflag:s10] =	ssyncset.done $0x0  }
0xeb: {  	[sflag:s10] =	ssyncadd.s32 $0xFFFFFF80  }
0xec: {  	_ =	swait.ge [sflag:s10], $0x80  }
0xed: {  	[sflag:s10] =	ssyncset.done $0x0  }
0xee: {  	[sflag:s10] =	ssyncadd.s32 $0xFFFFFF80  }
0xef: {  	_ =	swait.ge [sflag:s10], $0x80  }
0xf0: {  	[sflag:s10] =	ssyncset.done $0x0  }
0xf1: {  	[sflag:s10] =	ssyncadd.s32 $0xFFFFFF80  }
0xf2: {  	_ =	swait.ge [sflag:s10], $0x80  }
0xf3: {  	[sflag:s10] =	ssyncset.done $0x0  }
0xf4: {  	[sflag:s10] =	ssyncadd.s32 $0xFFFFFF80  }
0xf5: {  	_ =	swait.ge [sflag:s10], $0x80  }
0xf6: {  	[sflag:s10] =	ssyncset.done $0x0  }
0xf7: {  	[sflag:s10] =	ssyncadd.s32 $0xFFFFFF80  }
0xf8: {  	_ =	swait.ge [sflag:s10], $0x80  }
0xf9: {  	[sflag:s10] =	ssyncset.done $0x0  }
0xfa: {  	[sflag:s10] =	ssyncadd.s32 $0xFFFFFF80  }
0xfb: {  	_ =	swait.ge [sflag:s10], $0x80  }
0xfc: {  	[sflag:s10] =	ssyncset.done $0x0  }
0xfd: {  	[sflag:s10] =	ssyncadd.s32 $0xFFFFFF80  }
0xfe: {  	s12 =	sadd.s32 $0x1, s12;
	_ =	swait.ge [sflag:s10], $0x80  }
0xff: {  	p0 =	sne.s32 s12, s6;
	[sflag:s10] =	ssyncset.done $0x0  }
.Ltmp1:
0x100: {  	[sflag:s10] =	ssyncadd.s32 $0xFFFFFF80;
	(pc) =	sbr.rel @p0 .LBB2_1-.Ltmp1, $4  }
0x101: {  	[hbm4b:s5+s2] =	stream.linear.scatter [tilespmem:s11], [sflag:$0x2], $0x10000, $0x38;
	[tilespmem:$0x10200] =	vst v63  }
0x102: {  	_ =	swait.ge [sflag:s9], $0x10000  }
0x103: {  	[sflag:s9] =	ssyncset.done $0x0  }
0x104: {  	[sflag:s9] =	ssyncadd.s32 $0xFFFF0000  }
0x105: {  	_ =	sfence.sel $0x180000  }
0x106: {  	[bflag:$0x0] =	sbarrier.arrive $0xFFFF  }
0x107: {  	_ =	strace $0x90000047  }
0x108: {  	s0 =	stileid.u32;
	[bflag:$0x2] =	sbarrier.arrive $0xFFFF  }
0x109: {  	p0 =	sne.s32 s0, $0x0;
	s0 =	rddreg [dreg:$0x2]  }
0x10a: {  	s0 =	sadd.s32 @!p0 $0x100000, s0  }
0x10b: {  	[sflag:s0] =	ssyncadd.tile.s32 @!p0 $0x1;
	_ =	shalt  }
.Lfunc_end2:
_tile_overlayer_lowered:
.L_overlay_start_2:
0x10c: {  	(tag) =	ssettag $0x2  }
0x10d: {  	s0 =	rddreg [dreg:$0x0];
	s2 =	stileid.u32  }
0x10e: {  	s1 =	rddreg [dreg:$0x1];
	p0 =	sne.s32 s2, $0x0  }
0x10f: {  	s3 =	rddreg [dreg:$0x2];
	[bflag:$0x3] =	sbarrier.arrive $0xFFFF;
	s2 =	simm.s32 @!p0 $0x1C02  }
0x110: {  	[timem:s3], [sflag:s2] =	dma.local @!p0 [hbm:s0], s1  }
0x111: {  	s0 =	simm.s32 @!p0 $0x2  }
0x112: {  	_ =	swait.ge @!p0 [sflag:s0], s1  }
0x113: {  	s1 =	ssub.s32 @!p0 $0x0, s1;
	[sflag:s0] =	ssyncset.done @!p0 $0x0  }
0x114: {  	[sflag:s0] =	ssyncadd.s32 @!p0 s1  }
0x115: {  	[bflag:$0x3] =	sbarrier.arrive $0xFFFF  }
0x116: {  	_ =	shalt  }

</sc_bundles>
